<compile_context>
chip_gen: v7x
topology: tpu7x:2x2x1
jax: 0.10.2.dev20260603
libtpu: 0.0.44.dev20260713+nightly
codegen_flags: <defaults>
</compile_context>

<pallas_src>
import functools

import jax
import jax.numpy as jnp
from jax import lax
from jax.experimental import pallas as pl
from jax.experimental.pallas import tpu as pltpu
from jax.experimental.pallas import tpu_sc as plsc

B = 128
S = 2048
D = 1024

_mesh = plsc.VectorSubcoreMesh(core_axis_name="c", subcore_axis_name="s",
                               num_cores=1)


@functools.partial(
    pl.kernel,
    mesh=_mesh,
    out_type=jax.ShapeDtypeStruct((B, 2 * D), jnp.float32),
    scratch_types=[
        pltpu.VMEM((16,), jnp.int32),
        pltpu.VMEM((16,), jnp.int32),
        pltpu.VMEM((16, D), jnp.float32),
        pltpu.SemaphoreType.DMA,
    ],
)
def _gather_rows(table_hbm, pos1_hbm, pos2_hbm, out_hbm,
                 pos1_v, pos2_v, rows_v, sem):
    wid = lax.axis_index("s")
    par = wid >> 3
    g = wid & 7

    c1 = pltpu.async_copy(pos1_hbm.at[pl.ds(g * 16, 16)], pos1_v, sem)
    c2 = pltpu.async_copy(pos2_hbm.at[pl.ds(g * 16, 16)], pos2_v, sem)
    c1.wait()
    c2.wait()

    j = lax.iota(jnp.int32, 16)
    bat = g * 16 + j
    idx = bat * S + jnp.where(par == 0, pos1_v[...], pos2_v[...])
    pltpu.async_copy(table_hbm.at[idx], rows_v, sem).wait()
    copies = [
        pltpu.async_copy(
            rows_v.at[pl.ds(m, 1)],
            out_hbm.at[pl.ds(g * 16 + m, 1), pl.ds(par * D, D)],
            sem)
        for m in range(16)
    ]
    for c in copies:
        c.wait()


def kernel(base_encoding, pos1, pos2):
    table = base_encoding.reshape(B * S, D)
    return _gather_rows(table, pos1.astype(jnp.int32), pos2.astype(jnp.int32))

# --- scband reference (transcript-rebuilt; emitter-appended) ---
"""Pipeline reference for scband-cat-entities-27264452395540 (READ-ONLY COPY).

The authoritative reference and input builder live on the scoring server;
editing this copy changes nothing except your own understanding.
"""

import jax, jax.numpy as jnp
import numpy as np


def setup_inputs(seed: int = 0) -> dict:
    key = jax.random.key(seed)
    k1, k2, k3 = jax.random.split(key, 3)
    base_encoding = jax.random.normal(k1, (128, 2048, 1024), dtype=jnp.float32)
    pos1 = jax.random.randint(k2, (128,), 0, 2048, dtype=jnp.int64 if jax.config.jax_enable_x64 else jnp.int32)
    pos2 = jax.random.randint(k3, (128,), 0, 2048, dtype=jnp.int64 if jax.config.jax_enable_x64 else jnp.int32)
    return {"base_encoding": base_encoding, "pos1": pos1, "pos2": pos2}


def reference(base_encoding, pos1, pos2):
    tensor_range = jnp.arange(base_encoding.shape[0])
    h_state = base_encoding[tensor_range, pos1]
    t_state = base_encoding[tensor_range, pos2]
    state = jnp.concatenate((h_state, t_state), axis=-1)
    return state

if __name__ == "__main__":
    import jax
    _d = setup_inputs()
    print(jax.jit(kernel)(*tuple(_d.values())))

</pallas_src>

<mosaic_0001>
#map = affine_map<(d0, d1) -> (0, 0)>
#map1 = affine_map<(d0, d1) -> (0)>
module attributes {stable_mosaic.version = 14 : i64} {
  func.func @_gather_rows(%arg0: i32, %arg1: i32, %arg2: memref<262144x1024xf32, #tpu.memory_space<hbm>>, %arg3: memref<128xi32, #tpu.memory_space<hbm>>, %arg4: memref<128xi32, #tpu.memory_space<hbm>>, %arg5: memref<128x2048xf32, #tpu.memory_space<hbm>>, %arg6: memref<16xi32, #tpu.memory_space<vmem>>, %arg7: memref<16xi32, #tpu.memory_space<vmem>>, %arg8: memref<16x1024xf32, #tpu.memory_space<vmem>>, %arg9: memref<!tpu.dma_semaphore, #tpu.memory_space<semaphore_mem>>) attributes {dimension_semantics = [#tpu.dimension_semantics<core_parallel>, #tpu.dimension_semantics<subcore_parallel>], iteration_bounds = array<i64: 1, 16>, scalar_prefetch = 0 : i64, scratch_operands = 4 : i64, tpu.core_type = #tpu.core_type<sc_vector_subcore>, window_params = [{transform_indices = #map}, {transform_indices = #map1}, {transform_indices = #map1}, {transform_indices = #map}]} {
    %shift_right_arithmetic3A = arith.constant 3 : i32
    %shift_right_arithmetic3A_0 = arith.shrsi %arg1, %shift_right_arithmetic3A : i32
    %and3A = arith.constant 7 : i32
    %and3A_1 = arith.andi %arg1, %and3A : i32
    %mul3A = arith.constant 16 : i32
    %mul3A_2 = arith.muli %and3A_1, %mul3A : i32
    %dma_start3A = tpu.memref_slice %arg3[%mul3A_2] : memref<128xi32, #tpu.memory_space<hbm>> -> memref<16xi32, #tpu.memory_space<hbm>>
    %dma_start3A_3 = tpu.memref_slice %arg3[%mul3A_2] : memref<128xi32, #tpu.memory_space<hbm>> -> memref<16xi32, #tpu.memory_space<hbm>>
    tpu.enqueue_dma source(%dma_start3A_3 : memref<16xi32, #tpu.memory_space<hbm>>) target(%arg6 : memref<16xi32, #tpu.memory_space<vmem>>) target_semaphore(%arg9 : memref<!tpu.dma_semaphore, #tpu.memory_space<semaphore_mem>>)
    %mul3A_4 = arith.constant 16 : i32
    %mul3A_5 = arith.muli %and3A_1, %mul3A_4 : i32
    %dma_start3A_6 = tpu.memref_slice %arg4[%mul3A_5] : memref<128xi32, #tpu.memory_space<hbm>> -> memref<16xi32, #tpu.memory_space<hbm>>
    %dma_start3A_7 = tpu.memref_slice %arg4[%mul3A_5] : memref<128xi32, #tpu.memory_space<hbm>> -> memref<16xi32, #tpu.memory_space<hbm>>
    tpu.enqueue_dma source(%dma_start3A_7 : memref<16xi32, #tpu.memory_space<hbm>>) target(%arg7 : memref<16xi32, #tpu.memory_space<vmem>>) target_semaphore(%arg9 : memref<!tpu.dma_semaphore, #tpu.memory_space<semaphore_mem>>)
    %dma_wait3A = tpu.memref_slice %arg3[%mul3A_2] : memref<128xi32, #tpu.memory_space<hbm>> -> memref<16xi32, #tpu.memory_space<hbm>>
    %dma_wait3A_8 = tpu.memref_slice %arg3[%mul3A_2] : memref<128xi32, #tpu.memory_space<hbm>> -> memref<16xi32, #tpu.memory_space<hbm>>
    tpu.wait_dma2 semaphore(%arg9 : memref<!tpu.dma_semaphore, #tpu.memory_space<semaphore_mem>>) src(%dma_wait3A_8 : memref<16xi32, #tpu.memory_space<hbm>>) dst(%arg6 : memref<16xi32, #tpu.memory_space<vmem>>)
    %dma_wait3A_9 = tpu.memref_slice %arg4[%mul3A_5] : memref<128xi32, #tpu.memory_space<hbm>> -> memref<16xi32, #tpu.memory_space<hbm>>
    %dma_wait3A_10 = tpu.memref_slice %arg4[%mul3A_5] : memref<128xi32, #tpu.memory_space<hbm>> -> memref<16xi32, #tpu.memory_space<hbm>>
    tpu.wait_dma2 semaphore(%arg9 : memref<!tpu.dma_semaphore, #tpu.memory_space<semaphore_mem>>) src(%dma_wait3A_10 : memref<16xi32, #tpu.memory_space<hbm>>) dst(%arg7 : memref<16xi32, #tpu.memory_space<vmem>>)
    %iota3A = tpu.iota {dimensions = array<i32: 0>} : vector<16xi32>
    %mul3A_11 = arith.constant 16 : i32
    %mul3A_12 = arith.muli %and3A_1, %mul3A_11 : i32
    %add3A = vector.broadcast %mul3A_12 : i32 to vector<16xi32>
    %add3A_13 = arith.addi %add3A, %iota3A : vector<16xi32>
    %mul3A_14 = arith.constant 2048 : i32
    %mul3A_15 = vector.broadcast %mul3A_14 : i32 to vector<16xi32>
    %mul3A_16 = arith.muli %add3A_13, %mul3A_15 : vector<16xi32>
    %eq3A = arith.constant 0 : i32
    %eq3A_17 = arith.cmpi eq, %shift_right_arithmetic3A_0, %eq3A : i32
    %get3A = arith.constant 0 : index
    %get3A_18 = tpu.vector_load %arg6[%get3A] {strides = array<i32>} : memref<16xi32, #tpu.memory_space<vmem>>, vector<16xi32>,
    %get3A_19 = vector.shape_cast %get3A_18 : vector<16xi32> to vector<16xi32>
    %get3A_20 = arith.constant 0 : index
    %get3A_21 = tpu.vector_load %arg7[%get3A_20] {strides = array<i32>} : memref<16xi32, #tpu.memory_space<vmem>>, vector<16xi32>,
    %get3A_22 = vector.shape_cast %get3A_21 : vector<16xi32> to vector<16xi32>
    %select_n3A = arith.select %eq3A_17, %get3A_19, %get3A_22 : vector<16xi32>
    %add3A_23 = arith.addi %mul3A_16, %select_n3A : vector<16xi32>
    %dma_start3A_24 = arith.constant 0 : i32
    %dma_start3A_25 = arith.constant 0 : i32
    %dma_start3A_26 = tpu.memref_slice %arg2[%dma_start3A_24, %dma_start3A_25] : memref<262144x1024xf32, #tpu.memory_space<hbm>> -> memref<262144x1024xf32, #tpu.memory_space<hbm>>
    tpu.enqueue_indirect_dma source(%dma_start3A_26 : memref<262144x1024xf32, #tpu.memory_space<hbm>>) target(%arg8 : memref<16x1024xf32, #tpu.memory_space<vmem>>) offsets(%add3A_23 : vector<16xi32>) semaphore(%arg9 : memref<!tpu.dma_semaphore, #tpu.memory_space<semaphore_mem>>)
    %dma_wait3A_27 = arith.constant 0 : i32
    %dma_wait3A_28 = arith.constant 0 : i32
    %dma_wait3A_29 = tpu.memref_slice %arg2[%dma_wait3A_27, %dma_wait3A_28] : memref<262144x1024xf32, #tpu.memory_space<hbm>> -> memref<262144x1024xf32, #tpu.memory_space<hbm>>
    tpu.wait_indirect_dma semaphore(%arg9 : memref<!tpu.dma_semaphore, #tpu.memory_space<semaphore_mem>>) src(%dma_wait3A_29 : memref<262144x1024xf32, #tpu.memory_space<hbm>>) dst(%arg8 : memref<16x1024xf32, #tpu.memory_space<vmem>>)
    %mul3A_30 = arith.constant 16 : i32
    %mul3A_31 = arith.muli %and3A_1, %mul3A_30 : i32
    %add3A_32 = arith.constant 0 : i32
    %add3A_33 = arith.addi %mul3A_31, %add3A_32 : i32
    %mul3A_34 = arith.constant 1024 : i32
    %mul3A_35 = arith.muli %shift_right_arithmetic3A_0, %mul3A_34 : i32
    %dma_start3A_36 = arith.constant 0 : i32
    %dma_start3A_37 = arith.constant 0 : i32
    %dma_start3A_38 = tpu.memref_slice %arg8[%dma_start3A_36, %dma_start3A_37] : memref<16x1024xf32, #tpu.memory_space<vmem>> -> memref<1x1024xf32, #tpu.memory_space<vmem>>
    %dma_start3A_39 = tpu.memref_slice %arg5[%add3A_33, %mul3A_35] : memref<128x2048xf32, #tpu.memory_space<hbm>> -> memref<1x1024xf32, #tpu.memory_space<hbm>>
    %dma_start3A_40 = tpu.memref_slice %arg5[%add3A_33, %mul3A_35] : memref<128x2048xf32, #tpu.memory_space<hbm>> -> memref<1x1024xf32, #tpu.memory_space<hbm>>
    %dma_start3A_41 = arith.constant 0 : i32
    %dma_start3A_42 = arith.constant 0 : i32
    %dma_start3A_43 = tpu.memref_slice %arg8[%dma_start3A_41, %dma_start3A_42] : memref<16x1024xf32, #tpu.memory_space<vmem>> -> memref<1x1024xf32, #tpu.memory_space<vmem>>
    tpu.enqueue_dma source(%dma_start3A_43 : memref<1x1024xf32, #tpu.memory_space<vmem>>) target(%dma_start3A_40 : memref<1x1024xf32, #tpu.memory_space<hbm>>) target_semaphore(%arg9 : memref<!tpu.dma_semaphore, #tpu.memory_space<semaphore_mem>>)
    %mul3A_44 = arith.constant 16 : i32
    %mul3A_45 = arith.muli %and3A_1, %mul3A_44 : i32
    %add3A_46 = arith.constant 1 : i32
    %add3A_47 = arith.addi %mul3A_45, %add3A_46 : i32
    %mul3A_48 = arith.constant 1024 : i32
    %mul3A_49 = arith.muli %shift_right_arithmetic3A_0, %mul3A_48 : i32
    %dma_start3A_50 = arith.constant 1 : i32
    %dma_start3A_51 = arith.constant 0 : i32
    %dma_start3A_52 = tpu.memref_slice %arg8[%dma_start3A_50, %dma_start3A_51] : memref<16x1024xf32, #tpu.memory_space<vmem>> -> memref<1x1024xf32, #tpu.memory_space<vmem>>
    %dma_start3A_53 = tpu.memref_slice %arg5[%add3A_47, %mul3A_49] : memref<128x2048xf32, #tpu.memory_space<hbm>> -> memref<1x1024xf32, #tpu.memory_space<hbm>>
    %dma_start3A_54 = tpu.memref_slice %arg5[%add3A_47, %mul3A_49] : memref<128x2048xf32, #tpu.memory_space<hbm>> -> memref<1x1024xf32, #tpu.memory_space<hbm>>
    %dma_start3A_55 = arith.constant 1 : i32
    %dma_start3A_56 = arith.constant 0 : i32
    %dma_start3A_57 = tpu.memref_slice %arg8[%dma_start3A_55, %dma_start3A_56] : memref<16x1024xf32, #tpu.memory_space<vmem>> -> memref<1x1024xf32, #tpu.memory_space<vmem>>
    tpu.enqueue_dma source(%dma_start3A_57 : memref<1x1024xf32, #tpu.memory_space<vmem>>) target(%dma_start3A_54 : memref<1x1024xf32, #tpu.memory_space<hbm>>) target_semaphore(%arg9 : memref<!tpu.dma_semaphore, #tpu.memory_space<semaphore_mem>>)
    %mul3A_58 = arith.constant 16 : i32
    %mul3A_59 = arith.muli %and3A_1, %mul3A_58 : i32
    %add3A_60 = arith.constant 2 : i32
    %add3A_61 = arith.addi %mul3A_59, %add3A_60 : i32
    %mul3A_62 = arith.constant 1024 : i32
    %mul3A_63 = arith.muli %shift_right_arithmetic3A_0, %mul3A_62 : i32
    %dma_start3A_64 = arith.constant 2 : i32
    %dma_start3A_65 = arith.constant 0 : i32
    %dma_start3A_66 = tpu.memref_slice %arg8[%dma_start3A_64, %dma_start3A_65] : memref<16x1024xf32, #tpu.memory_space<vmem>> -> memref<1x1024xf32, #tpu.memory_space<vmem>>
    %dma_start3A_67 = tpu.memref_slice %arg5[%add3A_61, %mul3A_63] : memref<128x2048xf32, #tpu.memory_space<hbm>> -> memref<1x1024xf32, #tpu.memory_space<hbm>>
    %dma_start3A_68 = tpu.memref_slice %arg5[%add3A_61, %mul3A_63] : memref<128x2048xf32, #tpu.memory_space<hbm>> -> memref<1x1024xf32, #tpu.memory_space<hbm>>
    %dma_start3A_69 = arith.constant 2 : i32
    %dma_start3A_70 = arith.constant 0 : i32
    %dma_start3A_71 = tpu.memref_slice %arg8[%dma_start3A_69, %dma_start3A_70] : memref<16x1024xf32, #tpu.memory_space<vmem>> -> memref<1x1024xf32, #tpu.memory_space<vmem>>
    tpu.enqueue_dma source(%dma_start3A_71 : memref<1x1024xf32, #tpu.memory_space<vmem>>) target(%dma_start3A_68 : memref<1x1024xf32, #tpu.memory_space<hbm>>) target_semaphore(%arg9 : memref<!tpu.dma_semaphore, #tpu.memory_space<semaphore_mem>>)
    %mul3A_72 = arith.constant 16 : i32
    %mul3A_73 = arith.muli %and3A_1, %mul3A_72 : i32
    %add3A_74 = arith.constant 3 : i32
    %add3A_75 = arith.addi %mul3A_73, %add3A_74 : i32
    %mul3A_76 = arith.constant 1024 : i32
    %mul3A_77 = arith.muli %shift_right_arithmetic3A_0, %mul3A_76 : i32
    %dma_start3A_78 = arith.constant 3 : i32
    %dma_start3A_79 = arith.constant 0 : i32
    %dma_start3A_80 = tpu.memref_slice %arg8[%dma_start3A_78, %dma_start3A_79] : memref<16x1024xf32, #tpu.memory_space<vmem>> -> memref<1x1024xf32, #tpu.memory_space<vmem>>
    %dma_start3A_81 = tpu.memref_slice %arg5[%add3A_75, %mul3A_77] : memref<128x2048xf32, #tpu.memory_space<hbm>> -> memref<1x1024xf32, #tpu.memory_space<hbm>>
    %dma_start3A_82 = tpu.memref_slice %arg5[%add3A_75, %mul3A_77] : memref<128x2048xf32, #tpu.memory_space<hbm>> -> memref<1x1024xf32, #tpu.memory_space<hbm>>
    %dma_start3A_83 = arith.constant 3 : i32
    %dma_start3A_84 = arith.constant 0 : i32
    %dma_start3A_85 = tpu.memref_slice %arg8[%dma_start3A_83, %dma_start3A_84] : memref<16x1024xf32, #tpu.memory_space<vmem>> -> memref<1x1024xf32, #tpu.memory_space<vmem>>
    tpu.enqueue_dma source(%dma_start3A_85 : memref<1x1024xf32, #tpu.memory_space<vmem>>) target(%dma_start3A_82 : memref<1x1024xf32, #tpu.memory_space<hbm>>) target_semaphore(%arg9 : memref<!tpu.dma_semaphore, #tpu.memory_space<semaphore_mem>>)
    %mul3A_86 = arith.constant 16 : i32
    %mul3A_87 = arith.muli %and3A_1, %mul3A_86 : i32
    %add3A_88 = arith.constant 4 : i32
    %add3A_89 = arith.addi %mul3A_87, %add3A_88 : i32
    %mul3A_90 = arith.constant 1024 : i32
    %mul3A_91 = arith.muli %shift_right_arithmetic3A_0, %mul3A_90 : i32
    %dma_start3A_92 = arith.constant 4 : i32
    %dma_start3A_93 = arith.constant 0 : i32
    %dma_start3A_94 = tpu.memref_slice %arg8[%dma_start3A_92, %dma_start3A_93] : memref<16x1024xf32, #tpu.memory_space<vmem>> -> memref<1x1024xf32, #tpu.memory_space<vmem>>
    %dma_start3A_95 = tpu.memref_slice %arg5[%add3A_89, %mul3A_91] : memref<128x2048xf32, #tpu.memory_space<hbm>> -> memref<1x1024xf32, #tpu.memory_space<hbm>>
    %dma_start3A_96 = tpu.memref_slice %arg5[%add3A_89, %mul3A_91] : memref<128x2048xf32, #tpu.memory_space<hbm>> -> memref<1x1024xf32, #tpu.memory_space<hbm>>
    %dma_start3A_97 = arith.constant 4 : i32
    %dma_start3A_98 = arith.constant 0 : i32
    %dma_start3A_99 = tpu.memref_slice %arg8[%dma_start3A_97, %dma_start3A_98] : memref<16x1024xf32, #tpu.memory_space<vmem>> -> memref<1x1024xf32, #tpu.memory_space<vmem>>
    tpu.enqueue_dma source(%dma_start3A_99 : memref<1x1024xf32, #tpu.memory_space<vmem>>) target(%dma_start3A_96 : memref<1x1024xf32, #tpu.memory_space<hbm>>) target_semaphore(%arg9 : memref<!tpu.dma_semaphore, #tpu.memory_space<semaphore_mem>>)
    %mul3A_100 = arith.constant 16 : i32
    %mul3A_101 = arith.muli %and3A_1, %mul3A_100 : i32
    %add3A_102 = arith.constant 5 : i32
    %add3A_103 = arith.addi %mul3A_101, %add3A_102 : i32
    %mul3A_104 = arith.constant 1024 : i32
    %mul3A_105 = arith.muli %shift_right_arithmetic3A_0, %mul3A_104 : i32
    %dma_start3A_106 = arith.constant 5 : i32
    %dma_start3A_107 = arith.constant 0 : i32
    %dma_start3A_108 = tpu.memref_slice %arg8[%dma_start3A_106, %dma_start3A_107] : memref<16x1024xf32, #tpu.memory_space<vmem>> -> memref<1x1024xf32, #tpu.memory_space<vmem>>
    %dma_start3A_109 = tpu.memref_slice %arg5[%add3A_103, %mul3A_105] : memref<128x2048xf32, #tpu.memory_space<hbm>> -> memref<1x1024xf32, #tpu.memory_space<hbm>>
    %dma_start3A_110 = tpu.memref_slice %arg5[%add3A_103, %mul3A_105] : memref<128x2048xf32, #tpu.memory_space<hbm>> -> memref<1x1024xf32, #tpu.memory_space<hbm>>
    %dma_start3A_111 = arith.constant 5 : i32
    %dma_start3A_112 = arith.constant 0 : i32
    %dma_start3A_113 = tpu.memref_slice %arg8[%dma_start3A_111, %dma_start3A_112] : memref<16x1024xf32, #tpu.memory_space<vmem>> -> memref<1x1024xf32, #tpu.memory_space<vmem>>
    tpu.enqueue_dma source(%dma_start3A_113 : memref<1x1024xf32, #tpu.memory_space<vmem>>) target(%dma_start3A_110 : memref<1x1024xf32, #tpu.memory_space<hbm>>) target_semaphore(%arg9 : memref<!tpu.dma_semaphore, #tpu.memory_space<semaphore_mem>>)
    %mul3A_114 = arith.constant 16 : i32
    %mul3A_115 = arith.muli %and3A_1, %mul3A_114 : i32
    %add3A_116 = arith.constant 6 : i32
    %add3A_117 = arith.addi %mul3A_115, %add3A_116 : i32
    %mul3A_118 = arith.constant 1024 : i32
    %mul3A_119 = arith.muli %shift_right_arithmetic3A_0, %mul3A_118 : i32
    %dma_start3A_120 = arith.constant 6 : i32
    %dma_start3A_121 = arith.constant 0 : i32
    %dma_start3A_122 = tpu.memref_slice %arg8[%dma_start3A_120, %dma_start3A_121] : memref<16x1024xf32, #tpu.memory_space<vmem>> -> memref<1x1024xf32, #tpu.memory_space<vmem>>
    %dma_start3A_123 = tpu.memref_slice %arg5[%add3A_117, %mul3A_119] : memref<128x2048xf32, #tpu.memory_space<hbm>> -> memref<1x1024xf32, #tpu.memory_space<hbm>>
    %dma_start3A_124 = tpu.memref_slice %arg5[%add3A_117, %mul3A_119] : memref<128x2048xf32, #tpu.memory_space<hbm>> -> memref<1x1024xf32, #tpu.memory_space<hbm>>
    %dma_start3A_125 = arith.constant 6 : i32
    %dma_start3A_126 = arith.constant 0 : i32
    %dma_start3A_127 = tpu.memref_slice %arg8[%dma_start3A_125, %dma_start3A_126] : memref<16x1024xf32, #tpu.memory_space<vmem>> -> memref<1x1024xf32, #tpu.memory_space<vmem>>
    tpu.enqueue_dma source(%dma_start3A_127 : memref<1x1024xf32, #tpu.memory_space<vmem>>) target(%dma_start3A_124 : memref<1x1024xf32, #tpu.memory_space<hbm>>) target_semaphore(%arg9 : memref<!tpu.dma_semaphore, #tpu.memory_space<semaphore_mem>>)
    %mul3A_128 = arith.constant 16 : i32
    %mul3A_129 = arith.muli %and3A_1, %mul3A_128 : i32
    %add3A_130 = arith.constant 7 : i32
    %add3A_131 = arith.addi %mul3A_129, %add3A_130 : i32
    %mul3A_132 = arith.constant 1024 : i32
    %mul3A_133 = arith.muli %shift_right_arithmetic3A_0, %mul3A_132 : i32
    %dma_start3A_134 = arith.constant 7 : i32
    %dma_start3A_135 = arith.constant 0 : i32
    %dma_start3A_136 = tpu.memref_slice %arg8[%dma_start3A_134, %dma_start3A_135] : memref<16x1024xf32, #tpu.memory_space<vmem>> -> memref<1x1024xf32, #tpu.memory_space<vmem>>
    %dma_start3A_137 = tpu.memref_slice %arg5[%add3A_131, %mul3A_133] : memref<128x2048xf32, #tpu.memory_space<hbm>> -> memref<1x1024xf32, #tpu.memory_space<hbm>>
    %dma_start3A_138 = tpu.memref_slice %arg5[%add3A_131, %mul3A_133] : memref<128x2048xf32, #tpu.memory_space<hbm>> -> memref<1x1024xf32, #tpu.memory_space<hbm>>
    %dma_start3A_139 = arith.constant 7 : i32
    %dma_start3A_140 = arith.constant 0 : i32
    %dma_start3A_141 = tpu.memref_slice %arg8[%dma_start3A_139, %dma_start3A_140] : memref<16x1024xf32, #tpu.memory_space<vmem>> -> memref<1x1024xf32, #tpu.memory_space<vmem>>
    tpu.enqueue_dma source(%dma_start3A_141 : memref<1x1024xf32, #tpu.memory_space<vmem>>) target(%dma_start3A_138 : memref<1x1024xf32, #tpu.memory_space<hbm>>) target_semaphore(%arg9 : memref<!tpu.dma_semaphore, #tpu.memory_space<semaphore_mem>>)
    %mul3A_142 = arith.constant 16 : i32
    %mul3A_143 = arith.muli %and3A_1, %mul3A_142 : i32
    %add3A_144 = arith.constant 8 : i32
    %add3A_145 = arith.addi %mul3A_143, %add3A_144 : i32
    %mul3A_146 = arith.constant 1024 : i32
    %mul3A_147 = arith.muli %shift_right_arithmetic3A_0, %mul3A_146 : i32
    %dma_start3A_148 = arith.constant 8 : i32
    %dma_start3A_149 = arith.constant 0 : i32
    %dma_start3A_150 = tpu.memref_slice %arg8[%dma_start3A_148, %dma_start3A_149] : memref<16x1024xf32, #tpu.memory_space<vmem>> -> memref<1x1024xf32, #tpu.memory_space<vmem>>
    %dma_start3A_151 = tpu.memref_slice %arg5[%add3A_145, %mul3A_147] : memref<128x2048xf32, #tpu.memory_space<hbm>> -> memref<1x1024xf32, #tpu.memory_space<hbm>>
    %dma_start3A_152 = tpu.memref_slice %arg5[%add3A_145, %mul3A_147] : memref<128x2048xf32, #tpu.memory_space<hbm>> -> memref<1x1024xf32, #tpu.memory_space<hbm>>
    %dma_start3A_153 = arith.constant 8 : i32
    %dma_start3A_154 = arith.constant 0 : i32
    %dma_start3A_155 = tpu.memref_slice %arg8[%dma_start3A_153, %dma_start3A_154] : memref<16x1024xf32, #tpu.memory_space<vmem>> -> memref<1x1024xf32, #tpu.memory_space<vmem>>
    tpu.enqueue_dma source(%dma_start3A_155 : memref<1x1024xf32, #tpu.memory_space<vmem>>) target(%dma_start3A_152 : memref<1x1024xf32, #tpu.memory_space<hbm>>) target_semaphore(%arg9 : memref<!tpu.dma_semaphore, #tpu.memory_space<semaphore_mem>>)
    %mul3A_156 = arith.constant 16 : i32
    %mul3A_157 = arith.muli %and3A_1, %mul3A_156 : i32
    %add3A_158 = arith.constant 9 : i32
    %add3A_159 = arith.addi %mul3A_157, %add3A_158 : i32
    %mul3A_160 = arith.constant 1024 : i32
    %mul3A_161 = arith.muli %shift_right_arithmetic3A_0, %mul3A_160 : i32
    %dma_start3A_162 = arith.constant 9 : i32
    %dma_start3A_163 = arith.constant 0 : i32
    %dma_start3A_164 = tpu.memref_slice %arg8[%dma_start3A_162, %dma_start3A_163] : memref<16x1024xf32, #tpu.memory_space<vmem>> -> memref<1x1024xf32, #tpu.memory_space<vmem>>
    %dma_start3A_165 = tpu.memref_slice %arg5[%add3A_159, %mul3A_161] : memref<128x2048xf32, #tpu.memory_space<hbm>> -> memref<1x1024xf32, #tpu.memory_space<hbm>>
    %dma_start3A_166 = tpu.memref_slice %arg5[%add3A_159, %mul3A_161] : memref<128x2048xf32, #tpu.memory_space<hbm>> -> memref<1x1024xf32, #tpu.memory_space<hbm>>
    %dma_start3A_167 = arith.constant 9 : i32
    %dma_start3A_168 = arith.constant 0 : i32
    %dma_start3A_169 = tpu.memref_slice %arg8[%dma_start3A_167, %dma_start3A_168] : memref<16x1024xf32, #tpu.memory_space<vmem>> -> memref<1x1024xf32, #tpu.memory_space<vmem>>
    tpu.enqueue_dma source(%dma_start3A_169 : memref<1x1024xf32, #tpu.memory_space<vmem>>) target(%dma_start3A_166 : memref<1x1024xf32, #tpu.memory_space<hbm>>) target_semaphore(%arg9 : memref<!tpu.dma_semaphore, #tpu.memory_space<semaphore_mem>>)
    %mul3A_170 = arith.constant 16 : i32
    %mul3A_171 = arith.muli %and3A_1, %mul3A_170 : i32
    %add3A_172 = arith.constant 10 : i32
    %add3A_173 = arith.addi %mul3A_171, %add3A_172 : i32
    %mul3A_174 = arith.constant 1024 : i32
    %mul3A_175 = arith.muli %shift_right_arithmetic3A_0, %mul3A_174 : i32
    %dma_start3A_176 = arith.constant 10 : i32
    %dma_start3A_177 = arith.constant 0 : i32
    %dma_start3A_178 = tpu.memref_slice %arg8[%dma_start3A_176, %dma_start3A_177] : memref<16x1024xf32, #tpu.memory_space<vmem>> -> memref<1x1024xf32, #tpu.memory_space<vmem>>
    %dma_start3A_179 = tpu.memref_slice %arg5[%add3A_173, %mul3A_175] : memref<128x2048xf32, #tpu.memory_space<hbm>> -> memref<1x1024xf32, #tpu.memory_space<hbm>>
    %dma_start3A_180 = tpu.memref_slice %arg5[%add3A_173, %mul3A_175] : memref<128x2048xf32, #tpu.memory_space<hbm>> -> memref<1x1024xf32, #tpu.memory_space<hbm>>
    %dma_start3A_181 = arith.constant 10 : i32
    %dma_start3A_182 = arith.constant 0 : i32
    %dma_start3A_183 = tpu.memref_slice %arg8[%dma_start3A_181, %dma_start3A_182] : memref<16x1024xf32, #tpu.memory_space<vmem>> -> memref<1x1024xf32, #tpu.memory_space<vmem>>
    tpu.enqueue_dma source(%dma_start3A_183 : memref<1x1024xf32, #tpu.memory_space<vmem>>) target(%dma_start3A_180 : memref<1x1024xf32, #tpu.memory_space<hbm>>) target_semaphore(%arg9 : memref<!tpu.dma_semaphore, #tpu.memory_space<semaphore_mem>>)
    %mul3A_184 = arith.constant 16 : i32
    %mul3A_185 = arith.muli %and3A_1, %mul3A_184 : i32
    %add3A_186 = arith.constant 11 : i32
    %add3A_187 = arith.addi %mul3A_185, %add3A_186 : i32
    %mul3A_188 = arith.constant 1024 : i32
    %mul3A_189 = arith.muli %shift_right_arithmetic3A_0, %mul3A_188 : i32
    %dma_start3A_190 = arith.constant 11 : i32
    %dma_start3A_191 = arith.constant 0 : i32
    %dma_start3A_192 = tpu.memref_slice %arg8[%dma_start3A_190, %dma_start3A_191] : memref<16x1024xf32, #tpu.memory_space<vmem>> -> memref<1x1024xf32, #tpu.memory_space<vmem>>
    %dma_start3A_193 = tpu.memref_slice %arg5[%add3A_187, %mul3A_189] : memref<128x2048xf32, #tpu.memory_space<hbm>> -> memref<1x1024xf32, #tpu.memory_space<hbm>>
    %dma_start3A_194 = tpu.memref_slice %arg5[%add3A_187, %mul3A_189] : memref<128x2048xf32, #tpu.memory_space<hbm>> -> memref<1x1024xf32, #tpu.memory_space<hbm>>
    %dma_start3A_195 = arith.constant 11 : i32
    %dma_start3A_196 = arith.constant 0 : i32
    %dma_start3A_197 = tpu.memref_slice %arg8[%dma_start3A_195, %dma_start3A_196] : memref<16x1024xf32, #tpu.memory_space<vmem>> -> memref<1x1024xf32, #tpu.memory_space<vmem>>
    tpu.enqueue_dma source(%dma_start3A_197 : memref<1x1024xf32, #tpu.memory_space<vmem>>) target(%dma_start3A_194 : memref<1x1024xf32, #tpu.memory_space<hbm>>) target_semaphore(%arg9 : memref<!tpu.dma_semaphore, #tpu.memory_space<semaphore_mem>>)
    %mul3A_198 = arith.constant 16 : i32
    %mul3A_199 = arith.muli %and3A_1, %mul3A_198 : i32
    %add3A_200 = arith.constant 12 : i32
    %add3A_201 = arith.addi %mul3A_199, %add3A_200 : i32
    %mul3A_202 = arith.constant 1024 : i32
    %mul3A_203 = arith.muli %shift_right_arithmetic3A_0, %mul3A_202 : i32
    %dma_start3A_204 = arith.constant 12 : i32
    %dma_start3A_205 = arith.constant 0 : i32
    %dma_start3A_206 = tpu.memref_slice %arg8[%dma_start3A_204, %dma_start3A_205] : memref<16x1024xf32, #tpu.memory_space<vmem>> -> memref<1x1024xf32, #tpu.memory_space<vmem>>
    %dma_start3A_207 = tpu.memref_slice %arg5[%add3A_201, %mul3A_203] : memref<128x2048xf32, #tpu.memory_space<hbm>> -> memref<1x1024xf32, #tpu.memory_space<hbm>>
    %dma_start3A_208 = tpu.memref_slice %arg5[%add3A_201, %mul3A_203] : memref<128x2048xf32, #tpu.memory_space<hbm>> -> memref<1x1024xf32, #tpu.memory_space<hbm>>
    %dma_start3A_209 = arith.constant 12 : i32
    %dma_start3A_210 = arith.constant 0 : i32
    %dma_start3A_211 = tpu.memref_slice %arg8[%dma_start3A_209, %dma_start3A_210] : memref<16x1024xf32, #tpu.memory_space<vmem>> -> memref<1x1024xf32, #tpu.memory_space<vmem>>
    tpu.enqueue_dma source(%dma_start3A_211 : memref<1x1024xf32, #tpu.memory_space<vmem>>) target(%dma_start3A_208 : memref<1x1024xf32, #tpu.memory_space<hbm>>) target_semaphore(%arg9 : memref<!tpu.dma_semaphore, #tpu.memory_space<semaphore_mem>>)
    %mul3A_212 = arith.constant 16 : i32
    %mul3A_213 = arith.muli %and3A_1, %mul3A_212 : i32
    %add3A_214 = arith.constant 13 : i32
    %add3A_215 = arith.addi %mul3A_213, %add3A_214 : i32
    %mul3A_216 = arith.constant 1024 : i32
    %mul3A_217 = arith.muli %shift_right_arithmetic3A_0, %mul3A_216 : i32
    %dma_start3A_218 = arith.constant 13 : i32
    %dma_start3A_219 = arith.constant 0 : i32
    %dma_start3A_220 = tpu.memref_slice %arg8[%dma_start3A_218, %dma_start3A_219] : memref<16x1024xf32, #tpu.memory_space<vmem>> -> memref<1x1024xf32, #tpu.memory_space<vmem>>
    %dma_start3A_221 = tpu.memref_slice %arg5[%add3A_215, %mul3A_217] : memref<128x2048xf32, #tpu.memory_space<hbm>> -> memref<1x1024xf32, #tpu.memory_space<hbm>>
    %dma_start3A_222 = tpu.memref_slice %arg5[%add3A_215, %mul3A_217] : memref<128x2048xf32, #tpu.memory_space<hbm>> -> memref<1x1024xf32, #tpu.memory_space<hbm>>
    %dma_start3A_223 = arith.constant 13 : i32
    %dma_start3A_224 = arith.constant 0 : i32
    %dma_start3A_225 = tpu.memref_slice %arg8[%dma_start3A_223, %dma_start3A_224] : memref<16x1024xf32, #tpu.memory_space<vmem>> -> memref<1x1024xf32, #tpu.memory_space<vmem>>
    tpu.enqueue_dma source(%dma_start3A_225 : memref<1x1024xf32, #tpu.memory_space<vmem>>) target(%dma_start3A_222 : memref<1x1024xf32, #tpu.memory_space<hbm>>) target_semaphore(%arg9 : memref<!tpu.dma_semaphore, #tpu.memory_space<semaphore_mem>>)
    %mul3A_226 = arith.constant 16 : i32
    %mul3A_227 = arith.muli %and3A_1, %mul3A_226 : i32
    %add3A_228 = arith.constant 14 : i32
    %add3A_229 = arith.addi %mul3A_227, %add3A_228 : i32
    %mul3A_230 = arith.constant 1024 : i32
    %mul3A_231 = arith.muli %shift_right_arithmetic3A_0, %mul3A_230 : i32
    %dma_start3A_232 = arith.constant 14 : i32
    %dma_start3A_233 = arith.constant 0 : i32
    %dma_start3A_234 = tpu.memref_slice %arg8[%dma_start3A_232, %dma_start3A_233] : memref<16x1024xf32, #tpu.memory_space<vmem>> -> memref<1x1024xf32, #tpu.memory_space<vmem>>
    %dma_start3A_235 = tpu.memref_slice %arg5[%add3A_229, %mul3A_231] : memref<128x2048xf32, #tpu.memory_space<hbm>> -> memref<1x1024xf32, #tpu.memory_space<hbm>>
    %dma_start3A_236 = tpu.memref_slice %arg5[%add3A_229, %mul3A_231] : memref<128x2048xf32, #tpu.memory_space<hbm>> -> memref<1x1024xf32, #tpu.memory_space<hbm>>
    %dma_start3A_237 = arith.constant 14 : i32
    %dma_start3A_238 = arith.constant 0 : i32
    %dma_start3A_239 = tpu.memref_slice %arg8[%dma_start3A_237, %dma_start3A_238] : memref<16x1024xf32, #tpu.memory_space<vmem>> -> memref<1x1024xf32, #tpu.memory_space<vmem>>
    tpu.enqueue_dma source(%dma_start3A_239 : memref<1x1024xf32, #tpu.memory_space<vmem>>) target(%dma_start3A_236 : memref<1x1024xf32, #tpu.memory_space<hbm>>) target_semaphore(%arg9 : memref<!tpu.dma_semaphore, #tpu.memory_space<semaphore_mem>>)
    %mul3A_240 = arith.constant 16 : i32
    %mul3A_241 = arith.muli %and3A_1, %mul3A_240 : i32
    %add3A_242 = arith.constant 15 : i32
    %add3A_243 = arith.addi %mul3A_241, %add3A_242 : i32
    %mul3A_244 = arith.constant 1024 : i32
    %mul3A_245 = arith.muli %shift_right_arithmetic3A_0, %mul3A_244 : i32
    %dma_start3A_246 = arith.constant 15 : i32
    %dma_start3A_247 = arith.constant 0 : i32
    %dma_start3A_248 = tpu.memref_slice %arg8[%dma_start3A_246, %dma_start3A_247] : memref<16x1024xf32, #tpu.memory_space<vmem>> -> memref<1x1024xf32, #tpu.memory_space<vmem>>
    %dma_start3A_249 = tpu.memref_slice %arg5[%add3A_243, %mul3A_245] : memref<128x2048xf32, #tpu.memory_space<hbm>> -> memref<1x1024xf32, #tpu.memory_space<hbm>>
    %dma_start3A_250 = tpu.memref_slice %arg5[%add3A_243, %mul3A_245] : memref<128x2048xf32, #tpu.memory_space<hbm>> -> memref<1x1024xf32, #tpu.memory_space<hbm>>
    %dma_start3A_251 = arith.constant 15 : i32
    %dma_start3A_252 = arith.constant 0 : i32
    %dma_start3A_253 = tpu.memref_slice %arg8[%dma_start3A_251, %dma_start3A_252] : memref<16x1024xf32, #tpu.memory_space<vmem>> -> memref<1x1024xf32, #tpu.memory_space<vmem>>
    tpu.enqueue_dma source(%dma_start3A_253 : memref<1x1024xf32, #tpu.memory_space<vmem>>) target(%dma_start3A_250 : memref<1x1024xf32, #tpu.memory_space<hbm>>) target_semaphore(%arg9 : memref<!tpu.dma_semaphore, #tpu.memory_space<semaphore_mem>>)
    %dma_wait3A_254 = arith.constant 0 : i32
    %dma_wait3A_255 = arith.constant 0 : i32
    %dma_wait3A_256 = tpu.memref_slice %arg8[%dma_wait3A_254, %dma_wait3A_255] : memref<16x1024xf32, #tpu.memory_space<vmem>> -> memref<1x1024xf32, #tpu.memory_space<vmem>>
    %dma_wait3A_257 = tpu.memref_slice %arg5[%add3A_33, %mul3A_35] : memref<128x2048xf32, #tpu.memory_space<hbm>> -> memref<1x1024xf32, #tpu.memory_space<hbm>>
    %dma_wait3A_258 = tpu.memref_slice %arg5[%add3A_33, %mul3A_35] : memref<128x2048xf32, #tpu.memory_space<hbm>> -> memref<1x1024xf32, #tpu.memory_space<hbm>>
    %dma_wait3A_259 = arith.constant 0 : i32
    %dma_wait3A_260 = arith.constant 0 : i32
    %dma_wait3A_261 = tpu.memref_slice %arg8[%dma_wait3A_259, %dma_wait3A_260] : memref<16x1024xf32, #tpu.memory_space<vmem>> -> memref<1x1024xf32, #tpu.memory_space<vmem>>
    tpu.wait_dma2 semaphore(%arg9 : memref<!tpu.dma_semaphore, #tpu.memory_space<semaphore_mem>>) src(%dma_wait3A_261 : memref<1x1024xf32, #tpu.memory_space<vmem>>) dst(%dma_wait3A_258 : memref<1x1024xf32, #tpu.memory_space<hbm>>)
    %dma_wait3A_262 = arith.constant 1 : i32
    %dma_wait3A_263 = arith.constant 0 : i32
    %dma_wait3A_264 = tpu.memref_slice %arg8[%dma_wait3A_262, %dma_wait3A_263] : memref<16x1024xf32, #tpu.memory_space<vmem>> -> memref<1x1024xf32, #tpu.memory_space<vmem>>
    %dma_wait3A_265 = tpu.memref_slice %arg5[%add3A_47, %mul3A_49] : memref<128x2048xf32, #tpu.memory_space<hbm>> -> memref<1x1024xf32, #tpu.memory_space<hbm>>
    %dma_wait3A_266 = tpu.memref_slice %arg5[%add3A_47, %mul3A_49] : memref<128x2048xf32, #tpu.memory_space<hbm>> -> memref<1x1024xf32, #tpu.memory_space<hbm>>
    %dma_wait3A_267 = arith.constant 1 : i32
    %dma_wait3A_268 = arith.constant 0 : i32
    %dma_wait3A_269 = tpu.memref_slice %arg8[%dma_wait3A_267, %dma_wait3A_268] : memref<16x1024xf32, #tpu.memory_space<vmem>> -> memref<1x1024xf32, #tpu.memory_space<vmem>>
    tpu.wait_dma2 semaphore(%arg9 : memref<!tpu.dma_semaphore, #tpu.memory_space<semaphore_mem>>) src(%dma_wait3A_269 : memref<1x1024xf32, #tpu.memory_space<vmem>>) dst(%dma_wait3A_266 : memref<1x1024xf32, #tpu.memory_space<hbm>>)
    %dma_wait3A_270 = arith.constant 2 : i32
    %dma_wait3A_271 = arith.constant 0 : i32
    %dma_wait3A_272 = tpu.memref_slice %arg8[%dma_wait3A_270, %dma_wait3A_271] : memref<16x1024xf32, #tpu.memory_space<vmem>> -> memref<1x1024xf32, #tpu.memory_space<vmem>>
    %dma_wait3A_273 = tpu.memref_slice %arg5[%add3A_61, %mul3A_63] : memref<128x2048xf32, #tpu.memory_space<hbm>> -> memref<1x1024xf32, #tpu.memory_space<hbm>>
    %dma_wait3A_274 = tpu.memref_slice %arg5[%add3A_61, %mul3A_63] : memref<128x2048xf32, #tpu.memory_space<hbm>> -> memref<1x1024xf32, #tpu.memory_space<hbm>>
    %dma_wait3A_275 = arith.constant 2 : i32
    %dma_wait3A_276 = arith.constant 0 : i32
    %dma_wait3A_277 = tpu.memref_slice %arg8[%dma_wait3A_275, %dma_wait3A_276] : memref<16x1024xf32, #tpu.memory_space<vmem>> -> memref<1x1024xf32, #tpu.memory_space<vmem>>
    tpu.wait_dma2 semaphore(%arg9 : memref<!tpu.dma_semaphore, #tpu.memory_space<semaphore_mem>>) src(%dma_wait3A_277 : memref<1x1024xf32, #tpu.memory_space<vmem>>) dst(%dma_wait3A_274 : memref<1x1024xf32, #tpu.memory_space<hbm>>)
    %dma_wait3A_278 = arith.constant 3 : i32
    %dma_wait3A_279 = arith.constant 0 : i32
    %dma_wait3A_280 = tpu.memref_slice %arg8[%dma_wait3A_278, %dma_wait3A_279] : memref<16x1024xf32, #tpu.memory_space<vmem>> -> memref<1x1024xf32, #tpu.memory_space<vmem>>
    %dma_wait3A_281 = tpu.memref_slice %arg5[%add3A_75, %mul3A_77] : memref<128x2048xf32, #tpu.memory_space<hbm>> -> memref<1x1024xf32, #tpu.memory_space<hbm>>
    %dma_wait3A_282 = tpu.memref_slice %arg5[%add3A_75, %mul3A_77] : memref<128x2048xf32, #tpu.memory_space<hbm>> -> memref<1x1024xf32, #tpu.memory_space<hbm>>
    %dma_wait3A_283 = arith.constant 3 : i32
    %dma_wait3A_284 = arith.constant 0 : i32
    %dma_wait3A_285 = tpu.memref_slice %arg8[%dma_wait3A_283, %dma_wait3A_284] : memref<16x1024xf32, #tpu.memory_space<vmem>> -> memref<1x1024xf32, #tpu.memory_space<vmem>>
    tpu.wait_dma2 semaphore(%arg9 : memref<!tpu.dma_semaphore, #tpu.memory_space<semaphore_mem>>) src(%dma_wait3A_285 : memref<1x1024xf32, #tpu.memory_space<vmem>>) dst(%dma_wait3A_282 : memref<1x1024xf32, #tpu.memory_space<hbm>>)
    %dma_wait3A_286 = arith.constant 4 : i32
    %dma_wait3A_287 = arith.constant 0 : i32
    %dma_wait3A_288 = tpu.memref_slice %arg8[%dma_wait3A_286, %dma_wait3A_287] : memref<16x1024xf32, #tpu.memory_space<vmem>> -> memref<1x1024xf32, #tpu.memory_space<vmem>>
    %dma_wait3A_289 = tpu.memref_slice %arg5[%add3A_89, %mul3A_91] : memref<128x2048xf32, #tpu.memory_space<hbm>> -> memref<1x1024xf32, #tpu.memory_space<hbm>>
    %dma_wait3A_290 = tpu.memref_slice %arg5[%add3A_89, %mul3A_91] : memref<128x2048xf32, #tpu.memory_space<hbm>> -> memref<1x1024xf32, #tpu.memory_space<hbm>>
    %dma_wait3A_291 = arith.constant 4 : i32
    %dma_wait3A_292 = arith.constant 0 : i32
    %dma_wait3A_293 = tpu.memref_slice %arg8[%dma_wait3A_291, %dma_wait3A_292] : memref<16x1024xf32, #tpu.memory_space<vmem>> -> memref<1x1024xf32, #tpu.memory_space<vmem>>
    tpu.wait_dma2 semaphore(%arg9 : memref<!tpu.dma_semaphore, #tpu.memory_space<semaphore_mem>>) src(%dma_wait3A_293 : memref<1x1024xf32, #tpu.memory_space<vmem>>) dst(%dma_wait3A_290 : memref<1x1024xf32, #tpu.memory_space<hbm>>)
    %dma_wait3A_294 = arith.constant 5 : i32
    %dma_wait3A_295 = arith.constant 0 : i32
    %dma_wait3A_296 = tpu.memref_slice %arg8[%dma_wait3A_294, %dma_wait3A_295] : memref<16x1024xf32, #tpu.memory_space<vmem>> -> memref<1x1024xf32, #tpu.memory_space<vmem>>
    %dma_wait3A_297 = tpu.memref_slice %arg5[%add3A_103, %mul3A_105] : memref<128x2048xf32, #tpu.memory_space<hbm>> -> memref<1x1024xf32, #tpu.memory_space<hbm>>
    %dma_wait3A_298 = tpu.memref_slice %arg5[%add3A_103, %mul3A_105] : memref<128x2048xf32, #tpu.memory_space<hbm>> -> memref<1x1024xf32, #tpu.memory_space<hbm>>
    %dma_wait3A_299 = arith.constant 5 : i32
    %dma_wait3A_300 = arith.constant 0 : i32
    %dma_wait3A_301 = tpu.memref_slice %arg8[%dma_wait3A_299, %dma_wait3A_300] : memref<16x1024xf32, #tpu.memory_space<vmem>> -> memref<1x1024xf32, #tpu.memory_space<vmem>>
    tpu.wait_dma2 semaphore(%arg9 : memref<!tpu.dma_semaphore, #tpu.memory_space<semaphore_mem>>) src(%dma_wait3A_301 : memref<1x1024xf32, #tpu.memory_space<vmem>>) dst(%dma_wait3A_298 : memref<1x1024xf32, #tpu.memory_space<hbm>>)
    %dma_wait3A_302 = arith.constant 6 : i32
    %dma_wait3A_303 = arith.constant 0 : i32
    %dma_wait3A_304 = tpu.memref_slice %arg8[%dma_wait3A_302, %dma_wait3A_303] : memref<16x1024xf32, #tpu.memory_space<vmem>> -> memref<1x1024xf32, #tpu.memory_space<vmem>>
    %dma_wait3A_305 = tpu.memref_slice %arg5[%add3A_117, %mul3A_119] : memref<128x2048xf32, #tpu.memory_space<hbm>> -> memref<1x1024xf32, #tpu.memory_space<hbm>>
    %dma_wait3A_306 = tpu.memref_slice %arg5[%add3A_117, %mul3A_119] : memref<128x2048xf32, #tpu.memory_space<hbm>> -> memref<1x1024xf32, #tpu.memory_space<hbm>>
    %dma_wait3A_307 = arith.constant 6 : i32
    %dma_wait3A_308 = arith.constant 0 : i32
    %dma_wait3A_309 = tpu.memref_slice %arg8[%dma_wait3A_307, %dma_wait3A_308] : memref<16x1024xf32, #tpu.memory_space<vmem>> -> memref<1x1024xf32, #tpu.memory_space<vmem>>
    tpu.wait_dma2 semaphore(%arg9 : memref<!tpu.dma_semaphore, #tpu.memory_space<semaphore_mem>>) src(%dma_wait3A_309 : memref<1x1024xf32, #tpu.memory_space<vmem>>) dst(%dma_wait3A_306 : memref<1x1024xf32, #tpu.memory_space<hbm>>)
    %dma_wait3A_310 = arith.constant 7 : i32
    %dma_wait3A_311 = arith.constant 0 : i32
    %dma_wait3A_312 = tpu.memref_slice %arg8[%dma_wait3A_310, %dma_wait3A_311] : memref<16x1024xf32, #tpu.memory_space<vmem>> -> memref<1x1024xf32, #tpu.memory_space<vmem>>
    %dma_wait3A_313 = tpu.memref_slice %arg5[%add3A_131, %mul3A_133] : memref<128x2048xf32, #tpu.memory_space<hbm>> -> memref<1x1024xf32, #tpu.memory_space<hbm>>
    %dma_wait3A_314 = tpu.memref_slice %arg5[%add3A_131, %mul3A_133] : memref<128x2048xf32, #tpu.memory_space<hbm>> -> memref<1x1024xf32, #tpu.memory_space<hbm>>
    %dma_wait3A_315 = arith.constant 7 : i32
    %dma_wait3A_316 = arith.constant 0 : i32
    %dma_wait3A_317 = tpu.memref_slice %arg8[%dma_wait3A_315, %dma_wait3A_316] : memref<16x1024xf32, #tpu.memory_space<vmem>> -> memref<1x1024xf32, #tpu.memory_space<vmem>>
    tpu.wait_dma2 semaphore(%arg9 : memref<!tpu.dma_semaphore, #tpu.memory_space<semaphore_mem>>) src(%dma_wait3A_317 : memref<1x1024xf32, #tpu.memory_space<vmem>>) dst(%dma_wait3A_314 : memref<1x1024xf32, #tpu.memory_space<hbm>>)
    %dma_wait3A_318 = arith.constant 8 : i32
    %dma_wait3A_319 = arith.constant 0 : i32
    %dma_wait3A_320 = tpu.memref_slice %arg8[%dma_wait3A_318, %dma_wait3A_319] : memref<16x1024xf32, #tpu.memory_space<vmem>> -> memref<1x1024xf32, #tpu.memory_space<vmem>>
    %dma_wait3A_321 = tpu.memref_slice %arg5[%add3A_145, %mul3A_147] : memref<128x2048xf32, #tpu.memory_space<hbm>> -> memref<1x1024xf32, #tpu.memory_space<hbm>>
    %dma_wait3A_322 = tpu.memref_slice %arg5[%add3A_145, %mul3A_147] : memref<128x2048xf32, #tpu.memory_space<hbm>> -> memref<1x1024xf32, #tpu.memory_space<hbm>>
    %dma_wait3A_323 = arith.constant 8 : i32
    %dma_wait3A_324 = arith.constant 0 : i32
    %dma_wait3A_325 = tpu.memref_slice %arg8[%dma_wait3A_323, %dma_wait3A_324] : memref<16x1024xf32, #tpu.memory_space<vmem>> -> memref<1x1024xf32, #tpu.memory_space<vmem>>
    tpu.wait_dma2 semaphore(%arg9 : memref<!tpu.dma_semaphore, #tpu.memory_space<semaphore_mem>>) src(%dma_wait3A_325 : memref<1x1024xf32, #tpu.memory_space<vmem>>) dst(%dma_wait3A_322 : memref<1x1024xf32, #tpu.memory_space<hbm>>)
    %dma_wait3A_326 = arith.constant 9 : i32
    %dma_wait3A_327 = arith.constant 0 : i32
    %dma_wait3A_328 = tpu.memref_slice %arg8[%dma_wait3A_326, %dma_wait3A_327] : memref<16x1024xf32, #tpu.memory_space<vmem>> -> memref<1x1024xf32, #tpu.memory_space<vmem>>
    %dma_wait3A_329 = tpu.memref_slice %arg5[%add3A_159, %mul3A_161] : memref<128x2048xf32, #tpu.memory_space<hbm>> -> memref<1x1024xf32, #tpu.memory_space<hbm>>
    %dma_wait3A_330 = tpu.memref_slice %arg5[%add3A_159, %mul3A_161] : memref<128x2048xf32, #tpu.memory_space<hbm>> -> memref<1x1024xf32, #tpu.memory_space<hbm>>
    %dma_wait3A_331 = arith.constant 9 : i32
    %dma_wait3A_332 = arith.constant 0 : i32
    %dma_wait3A_333 = tpu.memref_slice %arg8[%dma_wait3A_331, %dma_wait3A_332] : memref<16x1024xf32, #tpu.memory_space<vmem>> -> memref<1x1024xf32, #tpu.memory_space<vmem>>
    tpu.wait_dma2 semaphore(%arg9 : memref<!tpu.dma_semaphore, #tpu.memory_space<semaphore_mem>>) src(%dma_wait3A_333 : memref<1x1024xf32, #tpu.memory_space<vmem>>) dst(%dma_wait3A_330 : memref<1x1024xf32, #tpu.memory_space<hbm>>)
    %dma_wait3A_334 = arith.constant 10 : i32
    %dma_wait3A_335 = arith.constant 0 : i32
    %dma_wait3A_336 = tpu.memref_slice %arg8[%dma_wait3A_334, %dma_wait3A_335] : memref<16x1024xf32, #tpu.memory_space<vmem>> -> memref<1x1024xf32, #tpu.memory_space<vmem>>
    %dma_wait3A_337 = tpu.memref_slice %arg5[%add3A_173, %mul3A_175] : memref<128x2048xf32, #tpu.memory_space<hbm>> -> memref<1x1024xf32, #tpu.memory_space<hbm>>
    %dma_wait3A_338 = tpu.memref_slice %arg5[%add3A_173, %mul3A_175] : memref<128x2048xf32, #tpu.memory_space<hbm>> -> memref<1x1024xf32, #tpu.memory_space<hbm>>
    %dma_wait3A_339 = arith.constant 10 : i32
    %dma_wait3A_340 = arith.constant 0 : i32
    %dma_wait3A_341 = tpu.memref_slice %arg8[%dma_wait3A_339, %dma_wait3A_340] : memref<16x1024xf32, #tpu.memory_space<vmem>> -> memref<1x1024xf32, #tpu.memory_space<vmem>>
    tpu.wait_dma2 semaphore(%arg9 : memref<!tpu.dma_semaphore, #tpu.memory_space<semaphore_mem>>) src(%dma_wait3A_341 : memref<1x1024xf32, #tpu.memory_space<vmem>>) dst(%dma_wait3A_338 : memref<1x1024xf32, #tpu.memory_space<hbm>>)
    %dma_wait3A_342 = arith.constant 11 : i32
    %dma_wait3A_343 = arith.constant 0 : i32
    %dma_wait3A_344 = tpu.memref_slice %arg8[%dma_wait3A_342, %dma_wait3A_343] : memref<16x1024xf32, #tpu.memory_space<vmem>> -> memref<1x1024xf32, #tpu.memory_space<vmem>>
    %dma_wait3A_345 = tpu.memref_slice %arg5[%add3A_187, %mul3A_189] : memref<128x2048xf32, #tpu.memory_space<hbm>> -> memref<1x1024xf32, #tpu.memory_space<hbm>>
    %dma_wait3A_346 = tpu.memref_slice %arg5[%add3A_187, %mul3A_189] : memref<128x2048xf32, #tpu.memory_space<hbm>> -> memref<1x1024xf32, #tpu.memory_space<hbm>>
    %dma_wait3A_347 = arith.constant 11 : i32
    %dma_wait3A_348 = arith.constant 0 : i32
    %dma_wait3A_349 = tpu.memref_slice %arg8[%dma_wait3A_347, %dma_wait3A_348] : memref<16x1024xf32, #tpu.memory_space<vmem>> -> memref<1x1024xf32, #tpu.memory_space<vmem>>
    tpu.wait_dma2 semaphore(%arg9 : memref<!tpu.dma_semaphore, #tpu.memory_space<semaphore_mem>>) src(%dma_wait3A_349 : memref<1x1024xf32, #tpu.memory_space<vmem>>) dst(%dma_wait3A_346 : memref<1x1024xf32, #tpu.memory_space<hbm>>)
    %dma_wait3A_350 = arith.constant 12 : i32
    %dma_wait3A_351 = arith.constant 0 : i32
    %dma_wait3A_352 = tpu.memref_slice %arg8[%dma_wait3A_350, %dma_wait3A_351] : memref<16x1024xf32, #tpu.memory_space<vmem>> -> memref<1x1024xf32, #tpu.memory_space<vmem>>
    %dma_wait3A_353 = tpu.memref_slice %arg5[%add3A_201, %mul3A_203] : memref<128x2048xf32, #tpu.memory_space<hbm>> -> memref<1x1024xf32, #tpu.memory_space<hbm>>
    %dma_wait3A_354 = tpu.memref_slice %arg5[%add3A_201, %mul3A_203] : memref<128x2048xf32, #tpu.memory_space<hbm>> -> memref<1x1024xf32, #tpu.memory_space<hbm>>
    %dma_wait3A_355 = arith.constant 12 : i32
    %dma_wait3A_356 = arith.constant 0 : i32
    %dma_wait3A_357 = tpu.memref_slice %arg8[%dma_wait3A_355, %dma_wait3A_356] : memref<16x1024xf32, #tpu.memory_space<vmem>> -> memref<1x1024xf32, #tpu.memory_space<vmem>>
    tpu.wait_dma2 semaphore(%arg9 : memref<!tpu.dma_semaphore, #tpu.memory_space<semaphore_mem>>) src(%dma_wait3A_357 : memref<1x1024xf32, #tpu.memory_space<vmem>>) dst(%dma_wait3A_354 : memref<1x1024xf32, #tpu.memory_space<hbm>>)
    %dma_wait3A_358 = arith.constant 13 : i32
    %dma_wait3A_359 = arith.constant 0 : i32
    %dma_wait3A_360 = tpu.memref_slice %arg8[%dma_wait3A_358, %dma_wait3A_359] : memref<16x1024xf32, #tpu.memory_space<vmem>> -> memref<1x1024xf32, #tpu.memory_space<vmem>>
    %dma_wait3A_361 = tpu.memref_slice %arg5[%add3A_215, %mul3A_217] : memref<128x2048xf32, #tpu.memory_space<hbm>> -> memref<1x1024xf32, #tpu.memory_space<hbm>>
    %dma_wait3A_362 = tpu.memref_slice %arg5[%add3A_215, %mul3A_217] : memref<128x2048xf32, #tpu.memory_space<hbm>> -> memref<1x1024xf32, #tpu.memory_space<hbm>>
    %dma_wait3A_363 = arith.constant 13 : i32
    %dma_wait3A_364 = arith.constant 0 : i32
    %dma_wait3A_365 = tpu.memref_slice %arg8[%dma_wait3A_363, %dma_wait3A_364] : memref<16x1024xf32, #tpu.memory_space<vmem>> -> memref<1x1024xf32, #tpu.memory_space<vmem>>
    tpu.wait_dma2 semaphore(%arg9 : memref<!tpu.dma_semaphore, #tpu.memory_space<semaphore_mem>>) src(%dma_wait3A_365 : memref<1x1024xf32, #tpu.memory_space<vmem>>) dst(%dma_wait3A_362 : memref<1x1024xf32, #tpu.memory_space<hbm>>)
    %dma_wait3A_366 = arith.constant 14 : i32
    %dma_wait3A_367 = arith.constant 0 : i32
    %dma_wait3A_368 = tpu.memref_slice %arg8[%dma_wait3A_366, %dma_wait3A_367] : memref<16x1024xf32, #tpu.memory_space<vmem>> -> memref<1x1024xf32, #tpu.memory_space<vmem>>
    %dma_wait3A_369 = tpu.memref_slice %arg5[%add3A_229, %mul3A_231] : memref<128x2048xf32, #tpu.memory_space<hbm>> -> memref<1x1024xf32, #tpu.memory_space<hbm>>
    %dma_wait3A_370 = tpu.memref_slice %arg5[%add3A_229, %mul3A_231] : memref<128x2048xf32, #tpu.memory_space<hbm>> -> memref<1x1024xf32, #tpu.memory_space<hbm>>
    %dma_wait3A_371 = arith.constant 14 : i32
    %dma_wait3A_372 = arith.constant 0 : i32
    %dma_wait3A_373 = tpu.memref_slice %arg8[%dma_wait3A_371, %dma_wait3A_372] : memref<16x1024xf32, #tpu.memory_space<vmem>> -> memref<1x1024xf32, #tpu.memory_space<vmem>>
    tpu.wait_dma2 semaphore(%arg9 : memref<!tpu.dma_semaphore, #tpu.memory_space<semaphore_mem>>) src(%dma_wait3A_373 : memref<1x1024xf32, #tpu.memory_space<vmem>>) dst(%dma_wait3A_370 : memref<1x1024xf32, #tpu.memory_space<hbm>>)
    %dma_wait3A_374 = arith.constant 15 : i32
    %dma_wait3A_375 = arith.constant 0 : i32
    %dma_wait3A_376 = tpu.memref_slice %arg8[%dma_wait3A_374, %dma_wait3A_375] : memref<16x1024xf32, #tpu.memory_space<vmem>> -> memref<1x1024xf32, #tpu.memory_space<vmem>>
    %dma_wait3A_377 = tpu.memref_slice %arg5[%add3A_243, %mul3A_245] : memref<128x2048xf32, #tpu.memory_space<hbm>> -> memref<1x1024xf32, #tpu.memory_space<hbm>>
    %dma_wait3A_378 = tpu.memref_slice %arg5[%add3A_243, %mul3A_245] : memref<128x2048xf32, #tpu.memory_space<hbm>> -> memref<1x1024xf32, #tpu.memory_space<hbm>>
    %dma_wait3A_379 = arith.constant 15 : i32
    %dma_wait3A_380 = arith.constant 0 : i32
    %dma_wait3A_381 = tpu.memref_slice %arg8[%dma_wait3A_379, %dma_wait3A_380] : memref<16x1024xf32, #tpu.memory_space<vmem>> -> memref<1x1024xf32, #tpu.memory_space<vmem>>
    tpu.wait_dma2 semaphore(%arg9 : memref<!tpu.dma_semaphore, #tpu.memory_space<semaphore_mem>>) src(%dma_wait3A_381 : memref<1x1024xf32, #tpu.memory_space<vmem>>) dst(%dma_wait3A_378 : memref<1x1024xf32, #tpu.memory_space<hbm>>)
    return
  }
}

</mosaic_0001>

<sc_bundles>
// kernel: kernel.3.cloned.1.call-start
scs
__scs_entry_jumppad:
0x0: {  	(pc) =	sbr.rel $0x88, $3  }
0x1: {  	(tag) =	ssettag $0x0;
	lr =	simm.s32 $0x1  }
0x2: {  	[smem:$0x3F9E] =	sst lr;
	_ =	strace $0xD0000000  }
0x3: {  	_ = 	snop  }
0x4: {  	_ = 	snop  }
0x5: {  	_ = 	snop  }
0x6: {  	_ = 	snop  }
0x7: {  	_ = 	snop  }
__scs_overlays_trampoline_lowered:
0x8: {  	[smem:$0x3FAD] =	sst s0  }
0x9: {  	[smem:$0x3FAE] =	sst s1  }
0xa: {  	[smem:$0x3FAF] =	sst s2  }
0xb: {  	[smem:$0x3FB0] =	sst s3  }
0xc: {  	[smem:$0x3FB1] =	sst s4  }
0xd: {  	[smem:$0x3FB2] =	sst s5  }
0xe: {  	[smem:$0x3FB3] =	sst s6  }
0xf: {  	[smem:$0x3FB4] =	sst s7  }
0x10: {  	[smem:$0x3FB5] =	sst s8  }
0x11: {  	[smem:$0x3FB6] =	sst s9;
	s0 =	simm.s32 @!p0 $0x0  }
0x12: {  	s1 =	sld [smem:$0x3F9C];
	s0 =	simm.s32 @p0 $0x1  }
0x13: {  	[smem:$0x3FB7] =	sst s0;
	s0 =	simm.s32 @!p1 $0x0  }
0x14: {  	s2 =	sld [smem:$0x3F9B];
	s0 =	simm.s32 @p1 $0x1  }
0x15: {  	[smem:$0x3FB8] =	sst s0;
	s0 =	simm.s32 @!p2 $0x0  }
0x16: {  	s3 =	sld [smem:$0x3FDB];
	s0 =	simm.s32 @p2 $0x1  }
0x17: {  	s4 =	simm.s32 $0x1BF5;
	[smem:$0x3FBA] =	sst s0  }
0x18: {  	s0 =	sld [smem:$0x3F9D];
	_ =	swait.ge [sflag:s4], $0x0  }
0x19: {  	s7 =	sld [smem:$0x3F9E]  }
0x1a: {  	s8 =	sadd.s32 $0xFFFFE003, lr  }
0x1b: {  	s9 =	sadd.s32 $0xFFFFFEF7, lr;
	s5 =	simm.s32 $0xFFFFFFFF;
	p2 =	slt.u32 s8, $0xFFFFF086  }
0x1c: {  	p1 =	slt.u32 s9, $0xF7A;
	s5 =	simm.s32 @!p2 $0x0  }
0x1d: {  	s5 =	simm.s32 @p1 $0x1;
	p0 =	seq.s32 s7, s2  }
0x1e: {  	s7 =	smul.u32 @!p0 $0xF7A, s2;
	p2 =	seq.s32 @!p0 s5, $0x0  }
0x1f: {  	s9 =	smul.u32 $0xF7A, s1;
	s8 =	simm.s32 @!p0 $0x1BF5;
	p2 =	por !p2, p0  }
0x20: {  	[sflag:s8] =	ssyncset.s32 @!p0 $0xFFFFF086;
	s6 =	sadd.s32 @!p0 s3, s7;
	s7 =	simm.s32 @!p0 $0x108  }
0x21: {  	s3 =	sadd.s32 s3, s9;
	s6 =	sadd.s32 @!p0 $0x88, s6;
	s7 =	simm.s32 @p2 $0x1082  }
0x22: {  	[simem:s7], [sflag:s8] =	dma.local @!p0 [hbm:s6], $0xF7A  }
0x23: {  	s9 =	sor.u32 $0xD0000000, s2;
	s6 =	simm.s32 $0x108;
	_ =	swait.ge @!p0 [sflag:s8], $0x0  }
0x24: {  	s3 =	sadd.s32 $0x88, s3;
	s6 =	simm.s32 @!p1 $0x1082;
	[sflag:s4] =	ssyncset.s32 $0xFFFFF086  }
0x25: {  	[simem:s6], [sflag:s4] =	dma.local [hbm:s3], $0xF7A  }
0x26: {  	[smem:$0x3F9E] =	sst s1;
	(tag) =	ssettag s2;
	_ =	strace s9  }
0x27: {  	s1 =	sld [smem:$0x3FAE]  }
0x28: {  	s2 =	sld [smem:$0x3FAF]  }
0x29: {  	s4 =	sld [smem:$0x3FB1]  }
0x2a: {  	p0 =	seq.s32 s5, $0x0;
	s5 =	sld [smem:$0x3FB2]  }
0x2b: {  	s6 =	sld [smem:$0x3FB3]  }
0x2c: {  	s7 =	sld [smem:$0x3FB4]  }
0x2d: {  	s3 =	simm.s32 $0x108;
	s8 =	sld [smem:$0x3FB5]  }
0x2e: {  	s3 =	simm.s32 @!p0 $0x1082;
	s9 =	sld [smem:$0x3FB6]  }
0x2f: {  	lr =	sadd.s32 s0, s3;
	s0 =	sld [smem:$0x3FAD]  }
0x30: {  	s3 =	sld [smem:$0x3FB0]  }
0x31: {  	[smem:$0x3FB9] =	sst s10  }
0x32: {  	s10 =	sld [smem:$0x3FB7];
	_ =	sdelay $0x3  }
0x33: {  	p0 =	seq.s32 s10, $0x1;
	s10 =	sld [smem:$0x3FB9];
	_ =	sdelay $0x3  }
0x34: {  	[smem:$0x3FB9] =	sst s10  }
0x35: {  	s10 =	sld [smem:$0x3FB8];
	_ =	sdelay $0x3  }
0x36: {  	p1 =	seq.s32 s10, $0x1;
	s10 =	sld [smem:$0x3FB9];
	_ =	sdelay $0x3  }
0x37: {  	[smem:$0x3FB9] =	sst s10  }
0x38: {  	s10 =	sld [smem:$0x3FBA]  }
0x39: {  	_ = 	snop;
	(pc) =	sbr.ind lr, $3  }
0x3a: {  	_ = 	snop  }
0x3b: {  	_ = 	snop  }
0x3c: {  	p2 =	seq.s32 s10, $0x1;
	s10 =	sld [smem:$0x3FB9]  }
0x3d: {  	_ =	shalt  }
0x3e: {  	_ =	shalt  }
0x3f: {  	_ =	shalt  }
0x40: {  	_ =	shalt  }
0x41: {  	_ =	shalt  }
0x42: {  	_ =	shalt  }
0x43: {  	_ =	shalt  }
0x44: {  	_ =	shalt  }
0x45: {  	_ =	shalt  }
0x46: {  	_ =	shalt  }
0x47: {  	_ =	shalt  }
0x48: {  	_ =	shalt  }
0x49: {  	_ =	shalt  }
0x4a: {  	_ =	shalt  }
0x4b: {  	_ =	shalt  }
0x4c: {  	_ =	shalt  }
0x4d: {  	_ =	shalt  }
0x4e: {  	_ =	shalt  }
0x4f: {  	_ =	shalt  }
0x50: {  	_ =	shalt  }
0x51: {  	_ =	shalt  }
0x52: {  	_ =	shalt  }
0x53: {  	_ =	shalt  }
0x54: {  	_ =	shalt  }
0x55: {  	_ =	shalt  }
0x56: {  	_ =	shalt  }
0x57: {  	_ =	shalt  }
0x58: {  	_ =	shalt  }
0x59: {  	_ =	shalt  }
0x5a: {  	_ =	shalt  }
0x5b: {  	_ =	shalt  }
0x5c: {  	_ =	shalt  }
0x5d: {  	_ =	shalt  }
0x5e: {  	_ =	shalt  }
0x5f: {  	_ =	shalt  }
0x60: {  	_ =	shalt  }
0x61: {  	_ =	shalt  }
0x62: {  	_ =	shalt  }
0x63: {  	_ =	shalt  }
0x64: {  	_ =	shalt  }
0x65: {  	_ =	shalt  }
0x66: {  	_ =	shalt  }
0x67: {  	_ =	shalt  }
0x68: {  	_ =	shalt  }
0x69: {  	_ =	shalt  }
0x6a: {  	_ =	shalt  }
0x6b: {  	_ =	shalt  }
0x6c: {  	_ =	shalt  }
0x6d: {  	_ =	shalt  }
0x6e: {  	_ =	shalt  }
0x6f: {  	_ =	shalt  }
0x70: {  	_ =	shalt  }
0x71: {  	_ =	shalt  }
0x72: {  	_ =	shalt  }
0x73: {  	_ =	shalt  }
0x74: {  	_ =	shalt  }
0x75: {  	_ =	shalt  }
0x76: {  	_ =	shalt  }
0x77: {  	_ =	shalt  }
0x78: {  	_ =	shalt  }
0x79: {  	_ =	shalt  }
0x7a: {  	_ =	shalt  }
0x7b: {  	_ =	shalt  }
0x7c: {  	_ =	shalt  }
0x7d: {  	_ =	shalt  }
0x7e: {  	_ =	shalt  }
0x7f: {  	_ =	shalt  }
0x80: {  	_ =	shalt  }
0x81: {  	_ =	shalt  }
0x82: {  	_ =	shalt  }
0x83: {  	_ =	shalt  }
0x84: {  	_ =	shalt  }
0x85: {  	_ =	shalt  }
0x86: {  	_ =	shalt  }
0x87: {  	_ =	shalt  }
.Lfunc_end0:
.L_simem_size_0:
called_computation_lowered:
.L_overlay_start_0:
0x88: {  	s0 =	sld [smem:$0x3FD9]  }
0x89: {  	s1 =	sld [smem:$0x3FFE];
	_ =	sdelay $0x3  }
0x8a: {  	s0 =	sadd.s32 s1, s0  }
0x8b: {  	[smem:$0x3FC5] =	sst s0  }
0x8c: {  	_ = 	snop  }
0x8d: {  	s0 =	sld [smem:$0x3FC9]  }
0x8e: {  	s17 =	sld [smem:$0x3FC8]  }
0x8f: {  	s2 =	sld [smem:$0x3FC7]  }
0x90: {  	s3 =	sld [smem:$0x3FD0];
	(tm) =	ssettm $0x1  }
0x91: {  	s4 =	sld [smem:$0x3FFB];
	_ =	sdelay $0x3  }
0x92: {  	_ =	strace s4  }
0x93: {  	s4 =	sld [smem:$0x3FFC];
	_ =	sdelay $0x3  }
0x94: {  	_ =	strace s4  }
0x95: {  	s4 =	sld [smem:$0x3FFD];
	_ =	sdelay $0x3  }
0x96: {  	_ =	strace s4  }
0x97: {  	_ =	strace $0x8FFFFFFF  }
0x98: {  	s18 =	sld [smem:$0x3FDB];
	_ =	sdelay $0x1  }
0x99: {  	s5 =	simm.s32 $_scs_section_size  }
0x9a: {  	s6 =	simm.s32 $_size__tile_overlayer_lowered;
	s7 =	simm.s32 $_tile_overlayer_lowered  }
0x9b: {  	s21 =	simm.s32 $0x1BFF;
	s20 =	sshll.u32 s7, $0x1;
	s4 =	sadd.s32 s5, s18  }
0x9c: {  	s8 =	simm.s32 $0x0;
	s19 =	sshll.u32 s6, $0x1;
	s6 =	sadd.s32 s20, s4  }
0x9d: {  	[timem:s8], [sflag:s21] =	dma.local [hbm:s6], s19  }
0x9e: {  	_ =	swait.ge [sflag:s21], s19  }
0x9f: {  	s5 =	ssub.s32 $0x0, s19;
	[sflag:s21] =	ssyncset.done $0x0  }
0xa0: {  	[sflag:s21] =	ssyncadd.s32 s5;
	_ =	sdelay $0x1  }
0xa1: {  	s22 =	simm.s32 $0x1B8B  }
0xa2: {  	_ =	swait.ge [sflag:s22], $0x1  }
0xa3: {  	[sflag:s22] =	ssyncset.done $0x0  }
0xa4: {  	s23 =	simm.s32 $0x1B8E;
	[sflag:s22] =	ssyncadd.s32 $0xFFFFFFFF  }
0xa5: {  	s24 =	simm.s32 $execute0_lowered;
	[smem:$0x3FD2] =	sst s23  }
0xa6: {  	s5 =	sshll.u32 s24, $0x1;
	_ =	strace $0x80000046;
	[dreg:$0x1] =	wrdreg $0xFFFFFFFF  }
0xa7: {  	s25 =	simm.s32 $_size_execute0_lowered;
	s4 =	sadd.s32 s4, s5;
	[dreg:$0x0] =	wrdreg $0x0  }
0xa8: {  	s5 =	sshll.u32 s25, $0x1;
	[dreg:$0x2] =	wrdreg s4  }
0xa9: {  	[dreg:$0x3] =	wrdreg s5  }
0xaa: {  	[dreg:$0x4] =	wrdreg $0xC0  }
0xab: {  	_ =	task [dreg:s8], $0x5FFFF  }
0xac: {  	[dreg:$0x1] =	wrdreg $0xFFFFFFFF  }
0xad: {  	[dreg:$0x0] =	wrdreg $0x60  }
0xae: {  	[dreg:$0x2] =	wrdreg s0  }
0xaf: {  	[dreg:$0x3] =	wrdreg s17  }
0xb0: {  	[dreg:$0x4] =	wrdreg s2  }
0xb1: {  	[dreg:$0x5] =	wrdreg s3  }
0xb2: {  	[dreg:$0x6] =	wrdreg $0x9  }
0xb3: {  	_ =	task.clear_ibuf [dreg:s8], $0x7FFFF;
	_ =	strace $0x90000046  }
0xb4: {  	s26 =	simm.s32 $0x9;
	_ =	strace $0x80000048  }
0xb5: {  	_ =	swait.ge [sflag:s26], $0x1  }
0xb6: {  	[sflag:s26] =	ssyncadd.s32 $0xFFFFFFFF  }
0xb7: {  	_ =	strace $0x90000048  }
0xb8: {  	_ =	sfence  }
0xb9: {  	s28 =	sld [smem:$0x0];
	_ =	sdelay $0x1  }
0xba: {  	s29 =	srdreg.scid  }
0xbb: {  	s30 =	sshll.u32 s29, $0xD;
	s31 =	sshrl.u32 s29, $0x2  }
0xbc: {  	s1 =	sand.u32 $0x1, s29;
	s2 =	sand.u32 $0x4000, s30;
	s0 =	sadd.s32 s31, s28  }
0xbd: {  	s1 =	sor.u32 s2, s1;
	s0 =	sshll.u32 s0, $0x11  }
0xbe: {  	s0 =	sor.u32 s0, s1  }
0xbf: {  	s0 =	sadd.s32 $0x8F2B, s0  }
0xc0: {  	[sflag:s0] =	ssyncadd.remote.s32 $0x1  }
0xc1: {  	_ =	sfence.sel $0xFFFF  }
0xc2: {  	[dreg:$0x0] =	wrdreg $0xFFFFFFFF;
	(pc) =	sbr.abs _section_cstart, $3  }
0xc3: {  	[dreg:$0x1] =	wrdreg $0xFFFFFFFF  }
0xc4: {  	_ =	task.clear_ibuf [dreg:s8], $0x2FFFF;
	_ =	strace $0x9FFFFFFF  }
0xc5: {  	(tm) =	ssettm $0x7FFFFFFF  }
tec
execute0_lowered:
.L_overlay_start_1:
0x0: {  	(tag) =	ssettag $0x1  }
0x1: {  	s5 =	rddreg [dreg:$0x0]  }
0x2: {  	s2 =	rddreg [dreg:$0x1];
	s0 =	stileid.u32  }
0x3: {  	s6 =	rddreg [dreg:$0x2];
	s7 =	sshll.u32 s0, $0x4  }
0x4: {  	s4 =	rddreg [dreg:$0x3];
	s3 =	simm.s32 $0x0;
	s9 =	sand.u32 $0x70, s7  }
0x5: {  	[smem:$0x7FF] =	sst s3;
	s7 =	sshrl.u32 s9, $0x3  }
0x6: {  	s1 =	rddreg [dreg:$0x4];
	_ =	strace $0x80000047;
	s2 =	sadd.s32 s2, s7  }
0x7: {  	[tilespmem:s3], [sflag:$0x1] =	stream.linear.gather [hbm4b:s2+s3], $0x10, $0x38;
	[tilespmem:$0x4100] =	vst v63  }
0x8: {  	s23 =	simm.s32 $0x80;
	s22 =	sadd.s32 s6, s7;
	s2 =	simm.s32 $0x1  }
0x9: {  	[tilespmem:s23], [sflag:$0x1] =	stream.linear.gather [hbm4b:s22+s3], $0x10, $0x38;
	[tilespmem:$0x4100] =	vst v63  }
0xa: {  	_ =	swait.ge [sflag:s2], $0x10  }
0xb: {  	[sflag:s2] =	ssyncset.done $0x0  }
0xc: {  	[sflag:s2] =	ssyncadd.s32 $0xFFFFFFF0  }
0xd: {  	_ =	swait.ge [sflag:s2], $0x10  }
0xe: {  	p0 =	slt.u32 s0, $0x8;
	s6 =	simm.s32 $0x0;
	[sflag:s2] =	ssyncset.done $0x0  }
0xf: {  	s6 =	simm.s32 @!p0 $0x80;
	[sflag:s2] =	ssyncadd.s32 $0xFFFFFFF0  }
0x10: {  	v0 =	vld [tilespmem:s6+$0x0];
	_ =	sdelay $0x1  }
0x11: {  	v1 =	vlaneseq.u32  }
0x12: {  	v3 =	vmul.u32 $0x4000, v1;
	v2 =	vmov s9  }
0x13: {  	v2 =	vshll.u32 v2, $0xE  }
0x14: {  	v2 =	vor.u32 v3, v2;
	v61 =	vshll.u32 v0, $0x3  }
0x15: {  	v2 =	vadd.s32 v2, v61  }
0x16: {  	v0 =	vand.u32 $0x7, v0;
	v2 =	vand.u32 $0xFFFFFFC0, v2  }
0x17: {  	v62 =	vand.u32 $0x7, v1;
	v63 =	vshrl.u32 v1, $0x3;
	v0 =	vor.u32 v0, v2  }
0x18: {  	v3 =	vmul.u32 $0x8, v63;
	v2 =	vperm.xlane v0, v62;
	_ =	sdelay $0x1  }
0x19: {  	v2 =	vadd.s32 v3, v2;
	_ =	sdelay $0x3  }
0x1a: {  	vm0 =	vmmov $0xffff;
	s10 =	simm.s32 $0x100  }
0x1b: {  	v1 =	vor.u32 $0x8, v1;
	[tilespmem:s10], [sflag:$0x1] =	stream.indirect_vreg.gather [hbm4b:s5+s3], $0x80, v2, vm0, $0xb8;
	[tilespmem:$0x4100] =	vst v63  }
0x1c: {  	s11 =	simm.s32 $0x900;
	s24 =	sadd.s32 $0x100, s5;
	v0 =	vperm.xlane v0, v1  }
0x1d: {  	[tilespmem:s11], [sflag:$0x1] =	stream.indirect_vreg.gather [hbm4b:s24+s3], $0x80, v2, vm0, $0xb8;
	[tilespmem:$0x4100] =	vst v63  }
0x1e: {  	s13 =	simm.s32 $0x1100;
	s12 =	sadd.s32 $0x200, s5;
	v0 =	vadd.s32 v3, v0  }
0x1f: {  	[tilespmem:s13], [sflag:$0x1] =	stream.indirect_vreg.gather [hbm4b:s12+s3], $0x80, v2, vm0, $0xb8;
	[tilespmem:$0x4100] =	vst v63  }
0x20: {  	s15 =	simm.s32 $0x1900;
	s14 =	sadd.s32 $0x300, s5  }
0x21: {  	[tilespmem:s15], [sflag:$0x1] =	stream.indirect_vreg.gather [hbm4b:s14+s3], $0x80, v2, vm0, $0xb8;
	[tilespmem:$0x4100] =	vst v63  }
0x22: {  	s8 =	simm.s32 $0x2100  }
0x23: {  	[tilespmem:s8], [sflag:$0x1] =	stream.indirect_vreg.gather [hbm4b:s5+s3], $0x80, v0, vm0, $0xb8;
	[tilespmem:$0x4100] =	vst v63  }
0x24: {  	s7 =	simm.s32 $0x2900  }
0x25: {  	[tilespmem:s7], [sflag:$0x1] =	stream.indirect_vreg.gather [hbm4b:s24+s3], $0x80, v0, vm0, $0xb8;
	[tilespmem:$0x4100] =	vst v63  }
0x26: {  	s6 =	simm.s32 $0x3100  }
0x27: {  	[tilespmem:s6], [sflag:$0x1] =	stream.indirect_vreg.gather [hbm4b:s12+s3], $0x80, v0, vm0, $0xb8;
	[tilespmem:$0x4100] =	vst v63  }
0x28: {  	s25 =	sshll.u32 s0, $0x7;
	s5 =	simm.s32 $0x3900  }
0x29: {  	[tilespmem:s5], [sflag:$0x1] =	stream.indirect_vreg.gather [hbm4b:s14+s3], $0x80, v0, vm0, $0xb8;
	[tilespmem:$0x4100] =	vst v63  }
0x2a: {  	s9 =	sshll.u32 s9, $0x8;
	s12 =	sand.u32 $0x400, s25;
	_ =	swait.ge [sflag:s2], $0x4000  }
0x2b: {  	s9 =	sor.u32 s12, s9;
	[sflag:s2] =	ssyncset.done $0x0  }
0x2c: {  	s4 =	sadd.s32 s4, s9;
	[sflag:s2] =	ssyncadd.s32 $0xFFFFC000  }
0x2d: {  	[hbm4b:s4+s3] =	stream.linear.scatter [tilespmem:s10], [sflag:$0x1], $0x80, $0x38;
	[tilespmem:$0x4100] =	vst v63  }
0x2e: {  	s26 =	simm.s32 $0x500;
	s9 =	sadd.s32 $0x80, s4  }
0x2f: {  	[hbm4b:s9+s3] =	stream.linear.scatter [tilespmem:s26], [sflag:$0x1], $0x80, $0x38;
	[tilespmem:$0x4100] =	vst v63  }
0x30: {  	s28 =	sadd.s32 $0x100, s4  }
0x31: {  	[hbm4b:s28+s3] =	stream.linear.scatter [tilespmem:s11], [sflag:$0x1], $0x80, $0x38;
	[tilespmem:$0x4100] =	vst v63  }
0x32: {  	s30 =	simm.s32 $0xD00;
	s29 =	sadd.s32 $0x180, s4  }
0x33: {  	[hbm4b:s29+s3] =	stream.linear.scatter [tilespmem:s30], [sflag:$0x1], $0x80, $0x38;
	[tilespmem:$0x4100] =	vst v63  }
0x34: {  	s31 =	sadd.s32 $0x200, s4  }
0x35: {  	[hbm4b:s31+s3] =	stream.linear.scatter [tilespmem:s13], [sflag:$0x1], $0x80, $0x38;
	[tilespmem:$0x4100] =	vst v63  }
0x36: {  	s10 =	sadd.s32 $0x280, s4;
	s11 =	simm.s32 $0x1500  }
0x37: {  	[hbm4b:s10+s3] =	stream.linear.scatter [tilespmem:s11], [sflag:$0x1], $0x80, $0x38;
	[tilespmem:$0x4100] =	vst v63  }
0x38: {  	s12 =	sadd.s32 $0x300, s4  }
0x39: {  	[hbm4b:s12+s3] =	stream.linear.scatter [tilespmem:s15], [sflag:$0x1], $0x80, $0x38;
	[tilespmem:$0x4100] =	vst v63  }
0x3a: {  	s14 =	simm.s32 $0x1D00;
	s13 =	sadd.s32 $0x380, s4  }
0x3b: {  	[hbm4b:s13+s3] =	stream.linear.scatter [tilespmem:s14], [sflag:$0x1], $0x80, $0x38;
	[tilespmem:$0x4100] =	vst v63  }
0x3c: {  	s16 =	simm.s32 $0x180;
	s15 =	sadd.s32 $0x10, s4  }
0x3d: {  	[hbm4b:s15+s3] =	stream.linear.scatter [tilespmem:s16], [sflag:$0x1], $0x80, $0x38;
	[tilespmem:$0x4100] =	vst v63  }
0x3e: {  	s18 =	simm.s32 $0x580;
	s17 =	sadd.s32 $0x90, s4  }
0x3f: {  	[hbm4b:s17+s3] =	stream.linear.scatter [tilespmem:s18], [sflag:$0x1], $0x80, $0x38;
	[tilespmem:$0x4100] =	vst v63  }
0x40: {  	s20 =	simm.s32 $0x980;
	s19 =	sadd.s32 $0x110, s4  }
0x41: {  	[hbm4b:s19+s3] =	stream.linear.scatter [tilespmem:s20], [sflag:$0x1], $0x80, $0x38;
	[tilespmem:$0x4100] =	vst v63  }
0x42: {  	s22 =	simm.s32 $0xD80;
	s21 =	sadd.s32 $0x190, s4  }
0x43: {  	[hbm4b:s21+s3] =	stream.linear.scatter [tilespmem:s22], [sflag:$0x1], $0x80, $0x38;
	[tilespmem:$0x4100] =	vst v63  }
0x44: {  	s24 =	simm.s32 $0x1180;
	s23 =	sadd.s32 $0x210, s4  }
0x45: {  	[hbm4b:s23+s3] =	stream.linear.scatter [tilespmem:s24], [sflag:$0x1], $0x80, $0x38;
	[tilespmem:$0x4100] =	vst v63  }
0x46: {  	s25 =	sadd.s32 $0x290, s4;
	s26 =	simm.s32 $0x1580  }
0x47: {  	[hbm4b:s25+s3] =	stream.linear.scatter [tilespmem:s26], [sflag:$0x1], $0x80, $0x38;
	[tilespmem:$0x4100] =	vst v63  }
0x48: {  	s28 =	sadd.s32 $0x310, s4;
	s29 =	simm.s32 $0x1980  }
0x49: {  	[hbm4b:s28+s3] =	stream.linear.scatter [tilespmem:s29], [sflag:$0x1], $0x80, $0x38;
	[tilespmem:$0x4100] =	vst v63  }
0x4a: {  	s30 =	sadd.s32 $0x390, s4;
	s31 =	simm.s32 $0x1D80  }
0x4b: {  	[hbm4b:s30+s3] =	stream.linear.scatter [tilespmem:s31], [sflag:$0x1], $0x80, $0x38;
	[tilespmem:$0x4100] =	vst v63  }
0x4c: {  	s11 =	sadd.s32 $0x20, s4;
	s12 =	simm.s32 $0x200  }
0x4d: {  	[hbm4b:s11+s3] =	stream.linear.scatter [tilespmem:s12], [sflag:$0x1], $0x80, $0x38;
	[tilespmem:$0x4100] =	vst v63  }
0x4e: {  	s13 =	sadd.s32 $0xA0, s4;
	s14 =	simm.s32 $0x600  }
0x4f: {  	[hbm4b:s13+s3] =	stream.linear.scatter [tilespmem:s14], [sflag:$0x1], $0x80, $0x38;
	[tilespmem:$0x4100] =	vst v63  }
0x50: {  	s15 =	sadd.s32 $0x120, s4;
	s16 =	simm.s32 $0xA00  }
0x51: {  	[hbm4b:s15+s3] =	stream.linear.scatter [tilespmem:s16], [sflag:$0x1], $0x80, $0x38;
	[tilespmem:$0x4100] =	vst v63  }
0x52: {  	s17 =	sadd.s32 $0x1A0, s4;
	s18 =	simm.s32 $0xE00  }
0x53: {  	[hbm4b:s17+s3] =	stream.linear.scatter [tilespmem:s18], [sflag:$0x1], $0x80, $0x38;
	[tilespmem:$0x4100] =	vst v63  }
0x54: {  	s19 =	sadd.s32 $0x220, s4;
	s20 =	simm.s32 $0x1200  }
0x55: {  	[hbm4b:s19+s3] =	stream.linear.scatter [tilespmem:s20], [sflag:$0x1], $0x80, $0x38;
	[tilespmem:$0x4100] =	vst v63  }
0x56: {  	s21 =	sadd.s32 $0x2A0, s4;
	s22 =	simm.s32 $0x1600  }
0x57: {  	[hbm4b:s21+s3] =	stream.linear.scatter [tilespmem:s22], [sflag:$0x1], $0x80, $0x38;
	[tilespmem:$0x4100] =	vst v63  }
0x58: {  	s23 =	sadd.s32 $0x320, s4;
	s24 =	simm.s32 $0x1A00  }
0x59: {  	[hbm4b:s23+s3] =	stream.linear.scatter [tilespmem:s24], [sflag:$0x1], $0x80, $0x38;
	[tilespmem:$0x4100] =	vst v63  }
0x5a: {  	s25 =	sadd.s32 $0x3A0, s4;
	s26 =	simm.s32 $0x1E00  }
0x5b: {  	[hbm4b:s25+s3] =	stream.linear.scatter [tilespmem:s26], [sflag:$0x1], $0x80, $0x38;
	[tilespmem:$0x4100] =	vst v63  }
0x5c: {  	s28 =	sadd.s32 $0x30, s4;
	s29 =	simm.s32 $0x280  }
0x5d: {  	[hbm4b:s28+s3] =	stream.linear.scatter [tilespmem:s29], [sflag:$0x1], $0x80, $0x38;
	[tilespmem:$0x4100] =	vst v63  }
0x5e: {  	s30 =	sadd.s32 $0xB0, s4;
	s31 =	simm.s32 $0x680  }
0x5f: {  	[hbm4b:s30+s3] =	stream.linear.scatter [tilespmem:s31], [sflag:$0x1], $0x80, $0x38;
	[tilespmem:$0x4100] =	vst v63  }
0x60: {  	s11 =	sadd.s32 $0x130, s4;
	s12 =	simm.s32 $0xA80  }
0x61: {  	[hbm4b:s11+s3] =	stream.linear.scatter [tilespmem:s12], [sflag:$0x1], $0x80, $0x38;
	[tilespmem:$0x4100] =	vst v63  }
0x62: {  	s13 =	sadd.s32 $0x1B0, s4;
	s14 =	simm.s32 $0xE80  }
0x63: {  	[hbm4b:s13+s3] =	stream.linear.scatter [tilespmem:s14], [sflag:$0x1], $0x80, $0x38;
	[tilespmem:$0x4100] =	vst v63  }
0x64: {  	s15 =	sadd.s32 $0x230, s4;
	s16 =	simm.s32 $0x1280  }
0x65: {  	[hbm4b:s15+s3] =	stream.linear.scatter [tilespmem:s16], [sflag:$0x1], $0x80, $0x38;
	[tilespmem:$0x4100] =	vst v63  }
0x66: {  	s17 =	sadd.s32 $0x2B0, s4;
	s18 =	simm.s32 $0x1680  }
0x67: {  	[hbm4b:s17+s3] =	stream.linear.scatter [tilespmem:s18], [sflag:$0x1], $0x80, $0x38;
	[tilespmem:$0x4100] =	vst v63  }
0x68: {  	s19 =	sadd.s32 $0x330, s4;
	s20 =	simm.s32 $0x1A80  }
0x69: {  	[hbm4b:s19+s3] =	stream.linear.scatter [tilespmem:s20], [sflag:$0x1], $0x80, $0x38;
	[tilespmem:$0x4100] =	vst v63  }
0x6a: {  	s21 =	sadd.s32 $0x3B0, s4;
	s22 =	simm.s32 $0x1E80  }
0x6b: {  	[hbm4b:s21+s3] =	stream.linear.scatter [tilespmem:s22], [sflag:$0x1], $0x80, $0x38;
	[tilespmem:$0x4100] =	vst v63  }
0x6c: {  	s23 =	sadd.s32 $0x40, s4;
	s24 =	simm.s32 $0x300  }
0x6d: {  	[hbm4b:s23+s3] =	stream.linear.scatter [tilespmem:s24], [sflag:$0x1], $0x80, $0x38;
	[tilespmem:$0x4100] =	vst v63  }
0x6e: {  	s25 =	sadd.s32 $0xC0, s4;
	s26 =	simm.s32 $0x700  }
0x6f: {  	[hbm4b:s25+s3] =	stream.linear.scatter [tilespmem:s26], [sflag:$0x1], $0x80, $0x38;
	[tilespmem:$0x4100] =	vst v63  }
0x70: {  	s28 =	sadd.s32 $0x140, s4;
	s29 =	simm.s32 $0xB00  }
0x71: {  	[hbm4b:s28+s3] =	stream.linear.scatter [tilespmem:s29], [sflag:$0x1], $0x80, $0x38;
	[tilespmem:$0x4100] =	vst v63  }
0x72: {  	s30 =	sadd.s32 $0x1C0, s4;
	s31 =	simm.s32 $0xF00  }
0x73: {  	[hbm4b:s30+s3] =	stream.linear.scatter [tilespmem:s31], [sflag:$0x1], $0x80, $0x38;
	[tilespmem:$0x4100] =	vst v63  }
0x74: {  	s11 =	sadd.s32 $0x240, s4;
	s12 =	simm.s32 $0x1300  }
0x75: {  	[hbm4b:s11+s3] =	stream.linear.scatter [tilespmem:s12], [sflag:$0x1], $0x80, $0x38;
	[tilespmem:$0x4100] =	vst v63  }
0x76: {  	s13 =	sadd.s32 $0x2C0, s4;
	s14 =	simm.s32 $0x1700  }
0x77: {  	[hbm4b:s13+s3] =	stream.linear.scatter [tilespmem:s14], [sflag:$0x1], $0x80, $0x38;
	[tilespmem:$0x4100] =	vst v63  }
0x78: {  	s15 =	sadd.s32 $0x340, s4;
	s16 =	simm.s32 $0x1B00  }
0x79: {  	[hbm4b:s15+s3] =	stream.linear.scatter [tilespmem:s16], [sflag:$0x1], $0x80, $0x38;
	[tilespmem:$0x4100] =	vst v63  }
0x7a: {  	s17 =	sadd.s32 $0x3C0, s4;
	s18 =	simm.s32 $0x1F00  }
0x7b: {  	[hbm4b:s17+s3] =	stream.linear.scatter [tilespmem:s18], [sflag:$0x1], $0x80, $0x38;
	[tilespmem:$0x4100] =	vst v63  }
0x7c: {  	s19 =	sadd.s32 $0x50, s4;
	s20 =	simm.s32 $0x380  }
0x7d: {  	[hbm4b:s19+s3] =	stream.linear.scatter [tilespmem:s20], [sflag:$0x1], $0x80, $0x38;
	[tilespmem:$0x4100] =	vst v63  }
0x7e: {  	s21 =	sadd.s32 $0xD0, s4;
	s22 =	simm.s32 $0x780  }
0x7f: {  	[hbm4b:s21+s3] =	stream.linear.scatter [tilespmem:s22], [sflag:$0x1], $0x80, $0x38;
	[tilespmem:$0x4100] =	vst v63  }
0x80: {  	s23 =	sadd.s32 $0x150, s4;
	s24 =	simm.s32 $0xB80  }
0x81: {  	[hbm4b:s23+s3] =	stream.linear.scatter [tilespmem:s24], [sflag:$0x1], $0x80, $0x38;
	[tilespmem:$0x4100] =	vst v63  }
0x82: {  	s25 =	sadd.s32 $0x1D0, s4;
	s26 =	simm.s32 $0xF80  }
0x83: {  	[hbm4b:s25+s3] =	stream.linear.scatter [tilespmem:s26], [sflag:$0x1], $0x80, $0x38;
	[tilespmem:$0x4100] =	vst v63  }
0x84: {  	s28 =	sadd.s32 $0x250, s4;
	s29 =	simm.s32 $0x1380  }
0x85: {  	[hbm4b:s28+s3] =	stream.linear.scatter [tilespmem:s29], [sflag:$0x1], $0x80, $0x38;
	[tilespmem:$0x4100] =	vst v63  }
0x86: {  	s30 =	sadd.s32 $0x2D0, s4;
	s31 =	simm.s32 $0x1780  }
0x87: {  	[hbm4b:s30+s3] =	stream.linear.scatter [tilespmem:s31], [sflag:$0x1], $0x80, $0x38;
	[tilespmem:$0x4100] =	vst v63  }
0x88: {  	s11 =	sadd.s32 $0x350, s4;
	s12 =	simm.s32 $0x1B80  }
0x89: {  	[hbm4b:s11+s3] =	stream.linear.scatter [tilespmem:s12], [sflag:$0x1], $0x80, $0x38;
	[tilespmem:$0x4100] =	vst v63  }
0x8a: {  	s13 =	sadd.s32 $0x3D0, s4;
	s14 =	simm.s32 $0x1F80  }
0x8b: {  	[hbm4b:s13+s3] =	stream.linear.scatter [tilespmem:s14], [sflag:$0x1], $0x80, $0x38;
	[tilespmem:$0x4100] =	vst v63  }
0x8c: {  	s15 =	sadd.s32 $0x60, s4;
	s16 =	simm.s32 $0x400  }
0x8d: {  	[hbm4b:s15+s3] =	stream.linear.scatter [tilespmem:s16], [sflag:$0x1], $0x80, $0x38;
	[tilespmem:$0x4100] =	vst v63  }
0x8e: {  	s17 =	sadd.s32 $0xE0, s4;
	s18 =	simm.s32 $0x800  }
0x8f: {  	[hbm4b:s17+s3] =	stream.linear.scatter [tilespmem:s18], [sflag:$0x1], $0x80, $0x38;
	[tilespmem:$0x4100] =	vst v63  }
0x90: {  	s19 =	sadd.s32 $0x160, s4;
	s20 =	simm.s32 $0xC00  }
0x91: {  	[hbm4b:s19+s3] =	stream.linear.scatter [tilespmem:s20], [sflag:$0x1], $0x80, $0x38;
	[tilespmem:$0x4100] =	vst v63  }
0x92: {  	s21 =	sadd.s32 $0x1E0, s4;
	s22 =	simm.s32 $0x1000  }
0x93: {  	[hbm4b:s21+s3] =	stream.linear.scatter [tilespmem:s22], [sflag:$0x1], $0x80, $0x38;
	[tilespmem:$0x4100] =	vst v63  }
0x94: {  	s23 =	sadd.s32 $0x260, s4;
	s24 =	simm.s32 $0x1400  }
0x95: {  	[hbm4b:s23+s3] =	stream.linear.scatter [tilespmem:s24], [sflag:$0x1], $0x80, $0x38;
	[tilespmem:$0x4100] =	vst v63  }
0x96: {  	s25 =	sadd.s32 $0x2E0, s4;
	s26 =	simm.s32 $0x1800  }
0x97: {  	[hbm4b:s25+s3] =	stream.linear.scatter [tilespmem:s26], [sflag:$0x1], $0x80, $0x38;
	[tilespmem:$0x4100] =	vst v63  }
0x98: {  	s28 =	sadd.s32 $0x360, s4;
	s29 =	simm.s32 $0x1C00  }
0x99: {  	[hbm4b:s28+s3] =	stream.linear.scatter [tilespmem:s29], [sflag:$0x1], $0x80, $0x38;
	[tilespmem:$0x4100] =	vst v63  }
0x9a: {  	s30 =	sadd.s32 $0x3E0, s4;
	s31 =	simm.s32 $0x2000  }
0x9b: {  	[hbm4b:s30+s3] =	stream.linear.scatter [tilespmem:s31], [sflag:$0x1], $0x80, $0x38;
	[tilespmem:$0x4100] =	vst v63  }
0x9c: {  	s11 =	sadd.s32 $0x70, s4;
	s12 =	simm.s32 $0x480  }
0x9d: {  	[hbm4b:s11+s3] =	stream.linear.scatter [tilespmem:s12], [sflag:$0x1], $0x80, $0x38;
	[tilespmem:$0x4100] =	vst v63  }
0x9e: {  	s13 =	sadd.s32 $0xF0, s4;
	s14 =	simm.s32 $0x880  }
0x9f: {  	[hbm4b:s13+s3] =	stream.linear.scatter [tilespmem:s14], [sflag:$0x1], $0x80, $0x38;
	[tilespmem:$0x4100] =	vst v63  }
0xa0: {  	s15 =	sadd.s32 $0x170, s4;
	s16 =	simm.s32 $0xC80  }
0xa1: {  	[hbm4b:s15+s3] =	stream.linear.scatter [tilespmem:s16], [sflag:$0x1], $0x80, $0x38;
	[tilespmem:$0x4100] =	vst v63  }
0xa2: {  	s17 =	sadd.s32 $0x1F0, s4;
	s18 =	simm.s32 $0x1080  }
0xa3: {  	[hbm4b:s17+s3] =	stream.linear.scatter [tilespmem:s18], [sflag:$0x1], $0x80, $0x38;
	[tilespmem:$0x4100] =	vst v63  }
0xa4: {  	s19 =	sadd.s32 $0x270, s4;
	s20 =	simm.s32 $0x1480  }
0xa5: {  	[hbm4b:s19+s3] =	stream.linear.scatter [tilespmem:s20], [sflag:$0x1], $0x80, $0x38;
	[tilespmem:$0x4100] =	vst v63  }
0xa6: {  	s21 =	sadd.s32 $0x2F0, s4;
	s22 =	simm.s32 $0x1880  }
0xa7: {  	[hbm4b:s21+s3] =	stream.linear.scatter [tilespmem:s22], [sflag:$0x1], $0x80, $0x38;
	[tilespmem:$0x4100] =	vst v63  }
0xa8: {  	s23 =	sadd.s32 $0x370, s4;
	s24 =	simm.s32 $0x1C80  }
0xa9: {  	[hbm4b:s23+s3] =	stream.linear.scatter [tilespmem:s24], [sflag:$0x1], $0x80, $0x38;
	[tilespmem:$0x4100] =	vst v63  }
0xaa: {  	s25 =	sadd.s32 $0x3F0, s4;
	s26 =	simm.s32 $0x2080  }
0xab: {  	[hbm4b:s25+s3] =	stream.linear.scatter [tilespmem:s26], [sflag:$0x1], $0x80, $0x38;
	[tilespmem:$0x4100] =	vst v63  }
0xac: {  	s28 =	sadd.s32 $0x800, s4  }
0xad: {  	[hbm4b:s28+s3] =	stream.linear.scatter [tilespmem:s8], [sflag:$0x1], $0x80, $0x38;
	[tilespmem:$0x4100] =	vst v63  }
0xae: {  	s29 =	sadd.s32 $0x880, s4;
	s30 =	simm.s32 $0x2500  }
0xaf: {  	[hbm4b:s29+s3] =	stream.linear.scatter [tilespmem:s30], [sflag:$0x1], $0x80, $0x38;
	[tilespmem:$0x4100] =	vst v63  }
0xb0: {  	s31 =	sadd.s32 $0x900, s4  }
0xb1: {  	[hbm4b:s31+s3] =	stream.linear.scatter [tilespmem:s7], [sflag:$0x1], $0x80, $0x38;
	[tilespmem:$0x4100] =	vst v63  }
0xb2: {  	s9 =	sadd.s32 $0x980, s4;
	s10 =	simm.s32 $0x2D00  }
0xb3: {  	[hbm4b:s9+s3] =	stream.linear.scatter [tilespmem:s10], [sflag:$0x1], $0x80, $0x38;
	[tilespmem:$0x4100] =	vst v63  }
0xb4: {  	s11 =	sadd.s32 $0xA00, s4  }
0xb5: {  	[hbm4b:s11+s3] =	stream.linear.scatter [tilespmem:s6], [sflag:$0x1], $0x80, $0x38;
	[tilespmem:$0x4100] =	vst v63  }
0xb6: {  	s12 =	sadd.s32 $0xA80, s4;
	s13 =	simm.s32 $0x3500  }
0xb7: {  	[hbm4b:s12+s3] =	stream.linear.scatter [tilespmem:s13], [sflag:$0x1], $0x80, $0x38;
	[tilespmem:$0x4100] =	vst v63  }
0xb8: {  	s14 =	sadd.s32 $0xB00, s4  }
0xb9: {  	[hbm4b:s14+s3] =	stream.linear.scatter [tilespmem:s5], [sflag:$0x1], $0x80, $0x38;
	[tilespmem:$0x4100] =	vst v63  }
0xba: {  	s15 =	sadd.s32 $0xB80, s4;
	s16 =	simm.s32 $0x3D00  }
0xbb: {  	[hbm4b:s15+s3] =	stream.linear.scatter [tilespmem:s16], [sflag:$0x1], $0x80, $0x38;
	[tilespmem:$0x4100] =	vst v63  }
0xbc: {  	s17 =	sadd.s32 $0x810, s4;
	s18 =	simm.s32 $0x2180  }
0xbd: {  	[hbm4b:s17+s3] =	stream.linear.scatter [tilespmem:s18], [sflag:$0x1], $0x80, $0x38;
	[tilespmem:$0x4100] =	vst v63  }
0xbe: {  	s19 =	sadd.s32 $0x890, s4;
	s20 =	simm.s32 $0x2580  }
0xbf: {  	[hbm4b:s19+s3] =	stream.linear.scatter [tilespmem:s20], [sflag:$0x1], $0x80, $0x38;
	[tilespmem:$0x4100] =	vst v63  }
0xc0: {  	s21 =	sadd.s32 $0x910, s4;
	s22 =	simm.s32 $0x2980  }
0xc1: {  	[hbm4b:s21+s3] =	stream.linear.scatter [tilespmem:s22], [sflag:$0x1], $0x80, $0x38;
	[tilespmem:$0x4100] =	vst v63  }
0xc2: {  	s23 =	sadd.s32 $0x990, s4;
	s24 =	simm.s32 $0x2D80  }
0xc3: {  	[hbm4b:s23+s3] =	stream.linear.scatter [tilespmem:s24], [sflag:$0x1], $0x80, $0x38;
	[tilespmem:$0x4100] =	vst v63  }
0xc4: {  	s25 =	sadd.s32 $0xA10, s4;
	s26 =	simm.s32 $0x3180  }
0xc5: {  	[hbm4b:s25+s3] =	stream.linear.scatter [tilespmem:s26], [sflag:$0x1], $0x80, $0x38;
	[tilespmem:$0x4100] =	vst v63  }
0xc6: {  	s28 =	sadd.s32 $0xA90, s4;
	s29 =	simm.s32 $0x3580  }
0xc7: {  	[hbm4b:s28+s3] =	stream.linear.scatter [tilespmem:s29], [sflag:$0x1], $0x80, $0x38;
	[tilespmem:$0x4100] =	vst v63  }
0xc8: {  	s30 =	sadd.s32 $0xB10, s4;
	s31 =	simm.s32 $0x3980  }
0xc9: {  	[hbm4b:s30+s3] =	stream.linear.scatter [tilespmem:s31], [sflag:$0x1], $0x80, $0x38;
	[tilespmem:$0x4100] =	vst v63  }
0xca: {  	s8 =	simm.s32 $0x3D80;
	s7 =	sadd.s32 $0xB90, s4  }
0xcb: {  	[hbm4b:s7+s3] =	stream.linear.scatter [tilespmem:s8], [sflag:$0x1], $0x80, $0x38;
	[tilespmem:$0x4100] =	vst v63  }
0xcc: {  	s9 =	sadd.s32 $0x820, s4;
	s10 =	simm.s32 $0x2200  }
0xcd: {  	[hbm4b:s9+s3] =	stream.linear.scatter [tilespmem:s10], [sflag:$0x1], $0x80, $0x38;
	[tilespmem:$0x4100] =	vst v63  }
0xce: {  	s11 =	sadd.s32 $0x8A0, s4;
	s12 =	simm.s32 $0x2600  }
0xcf: {  	[hbm4b:s11+s3] =	stream.linear.scatter [tilespmem:s12], [sflag:$0x1], $0x80, $0x38;
	[tilespmem:$0x4100] =	vst v63  }
0xd0: {  	s13 =	sadd.s32 $0x920, s4;
	s14 =	simm.s32 $0x2A00  }
0xd1: {  	[hbm4b:s13+s3] =	stream.linear.scatter [tilespmem:s14], [sflag:$0x1], $0x80, $0x38;
	[tilespmem:$0x4100] =	vst v63  }
0xd2: {  	s15 =	sadd.s32 $0x9A0, s4;
	s16 =	simm.s32 $0x2E00  }
0xd3: {  	[hbm4b:s15+s3] =	stream.linear.scatter [tilespmem:s16], [sflag:$0x1], $0x80, $0x38;
	[tilespmem:$0x4100] =	vst v63  }
0xd4: {  	s17 =	sadd.s32 $0xA20, s4;
	s18 =	simm.s32 $0x3200  }
0xd5: {  	[hbm4b:s17+s3] =	stream.linear.scatter [tilespmem:s18], [sflag:$0x1], $0x80, $0x38;
	[tilespmem:$0x4100] =	vst v63  }
0xd6: {  	s19 =	sadd.s32 $0xAA0, s4;
	s20 =	simm.s32 $0x3600  }
0xd7: {  	[hbm4b:s19+s3] =	stream.linear.scatter [tilespmem:s20], [sflag:$0x1], $0x80, $0x38;
	[tilespmem:$0x4100] =	vst v63  }
0xd8: {  	s21 =	sadd.s32 $0xB20, s4;
	s22 =	simm.s32 $0x3A00  }
0xd9: {  	[hbm4b:s21+s3] =	stream.linear.scatter [tilespmem:s22], [sflag:$0x1], $0x80, $0x38;
	[tilespmem:$0x4100] =	vst v63  }
0xda: {  	s23 =	sadd.s32 $0xBA0, s4;
	s24 =	simm.s32 $0x3E00  }
0xdb: {  	[hbm4b:s23+s3] =	stream.linear.scatter [tilespmem:s24], [sflag:$0x1], $0x80, $0x38;
	[tilespmem:$0x4100] =	vst v63  }
0xdc: {  	s25 =	sadd.s32 $0x830, s4;
	s26 =	simm.s32 $0x2280  }
0xdd: {  	[hbm4b:s25+s3] =	stream.linear.scatter [tilespmem:s26], [sflag:$0x1], $0x80, $0x38;
	[tilespmem:$0x4100] =	vst v63  }
0xde: {  	s28 =	sadd.s32 $0x8B0, s4;
	s29 =	simm.s32 $0x2680  }
0xdf: {  	[hbm4b:s28+s3] =	stream.linear.scatter [tilespmem:s29], [sflag:$0x1], $0x80, $0x38;
	[tilespmem:$0x4100] =	vst v63  }
0xe0: {  	s30 =	sadd.s32 $0x930, s4;
	s31 =	simm.s32 $0x2A80  }
0xe1: {  	[hbm4b:s30+s3] =	stream.linear.scatter [tilespmem:s31], [sflag:$0x1], $0x80, $0x38;
	[tilespmem:$0x4100] =	vst v63  }
0xe2: {  	s7 =	sadd.s32 $0x9B0, s4;
	s8 =	simm.s32 $0x2E80  }
0xe3: {  	[hbm4b:s7+s3] =	stream.linear.scatter [tilespmem:s8], [sflag:$0x1], $0x80, $0x38;
	[tilespmem:$0x4100] =	vst v63  }
0xe4: {  	s9 =	sadd.s32 $0xA30, s4;
	s10 =	simm.s32 $0x3280  }
0xe5: {  	[hbm4b:s9+s3] =	stream.linear.scatter [tilespmem:s10], [sflag:$0x1], $0x80, $0x38;
	[tilespmem:$0x4100] =	vst v63  }
0xe6: {  	s11 =	sadd.s32 $0xAB0, s4;
	s12 =	simm.s32 $0x3680  }
0xe7: {  	[hbm4b:s11+s3] =	stream.linear.scatter [tilespmem:s12], [sflag:$0x1], $0x80, $0x38;
	[tilespmem:$0x4100] =	vst v63  }
0xe8: {  	s13 =	sadd.s32 $0xB30, s4;
	s14 =	simm.s32 $0x3A80  }
0xe9: {  	[hbm4b:s13+s3] =	stream.linear.scatter [tilespmem:s14], [sflag:$0x1], $0x80, $0x38;
	[tilespmem:$0x4100] =	vst v63  }
0xea: {  	s15 =	sadd.s32 $0xBB0, s4;
	s16 =	simm.s32 $0x3E80  }
0xeb: {  	[hbm4b:s15+s3] =	stream.linear.scatter [tilespmem:s16], [sflag:$0x1], $0x80, $0x38;
	[tilespmem:$0x4100] =	vst v63  }
0xec: {  	s17 =	sadd.s32 $0x840, s4;
	s18 =	simm.s32 $0x2300  }
0xed: {  	[hbm4b:s17+s3] =	stream.linear.scatter [tilespmem:s18], [sflag:$0x1], $0x80, $0x38;
	[tilespmem:$0x4100] =	vst v63  }
0xee: {  	s19 =	sadd.s32 $0x8C0, s4;
	s20 =	simm.s32 $0x2700  }
0xef: {  	[hbm4b:s19+s3] =	stream.linear.scatter [tilespmem:s20], [sflag:$0x1], $0x80, $0x38;
	[tilespmem:$0x4100] =	vst v63  }
0xf0: {  	s21 =	sadd.s32 $0x940, s4;
	s22 =	simm.s32 $0x2B00  }
0xf1: {  	[hbm4b:s21+s3] =	stream.linear.scatter [tilespmem:s22], [sflag:$0x1], $0x80, $0x38;
	[tilespmem:$0x4100] =	vst v63  }
0xf2: {  	s23 =	sadd.s32 $0x9C0, s4;
	s24 =	simm.s32 $0x2F00  }
0xf3: {  	[hbm4b:s23+s3] =	stream.linear.scatter [tilespmem:s24], [sflag:$0x1], $0x80, $0x38;
	[tilespmem:$0x4100] =	vst v63  }
0xf4: {  	s25 =	sadd.s32 $0xA40, s4;
	s26 =	simm.s32 $0x3300  }
0xf5: {  	[hbm4b:s25+s3] =	stream.linear.scatter [tilespmem:s26], [sflag:$0x1], $0x80, $0x38;
	[tilespmem:$0x4100] =	vst v63  }
0xf6: {  	s28 =	sadd.s32 $0xAC0, s4;
	s29 =	simm.s32 $0x3700  }
0xf7: {  	[hbm4b:s28+s3] =	stream.linear.scatter [tilespmem:s29], [sflag:$0x1], $0x80, $0x38;
	[tilespmem:$0x4100] =	vst v63  }
0xf8: {  	s30 =	sadd.s32 $0xB40, s4;
	s31 =	simm.s32 $0x3B00  }
0xf9: {  	[hbm4b:s30+s3] =	stream.linear.scatter [tilespmem:s31], [sflag:$0x1], $0x80, $0x38;
	[tilespmem:$0x4100] =	vst v63  }
0xfa: {  	s7 =	sadd.s32 $0xBC0, s4;
	s8 =	simm.s32 $0x3F00  }
0xfb: {  	[hbm4b:s7+s3] =	stream.linear.scatter [tilespmem:s8], [sflag:$0x1], $0x80, $0x38;
	[tilespmem:$0x4100] =	vst v63  }
0xfc: {  	s9 =	sadd.s32 $0x850, s4;
	s10 =	simm.s32 $0x2380  }
0xfd: {  	[hbm4b:s9+s3] =	stream.linear.scatter [tilespmem:s10], [sflag:$0x1], $0x80, $0x38;
	[tilespmem:$0x4100] =	vst v63  }
0xfe: {  	s11 =	sadd.s32 $0x8D0, s4;
	s12 =	simm.s32 $0x2780  }
0xff: {  	[hbm4b:s11+s3] =	stream.linear.scatter [tilespmem:s12], [sflag:$0x1], $0x80, $0x38;
	[tilespmem:$0x4100] =	vst v63  }
0x100: {  	s13 =	sadd.s32 $0x950, s4;
	s14 =	simm.s32 $0x2B80  }
0x101: {  	[hbm4b:s13+s3] =	stream.linear.scatter [tilespmem:s14], [sflag:$0x1], $0x80, $0x38;
	[tilespmem:$0x4100] =	vst v63  }
0x102: {  	s15 =	sadd.s32 $0x9D0, s4;
	s16 =	simm.s32 $0x2F80  }
0x103: {  	[hbm4b:s15+s3] =	stream.linear.scatter [tilespmem:s16], [sflag:$0x1], $0x80, $0x38;
	[tilespmem:$0x4100] =	vst v63  }
0x104: {  	s17 =	sadd.s32 $0xA50, s4;
	s18 =	simm.s32 $0x3380  }
0x105: {  	[hbm4b:s17+s3] =	stream.linear.scatter [tilespmem:s18], [sflag:$0x1], $0x80, $0x38;
	[tilespmem:$0x4100] =	vst v63  }
0x106: {  	s19 =	sadd.s32 $0xAD0, s4;
	s20 =	simm.s32 $0x3780  }
0x107: {  	[hbm4b:s19+s3] =	stream.linear.scatter [tilespmem:s20], [sflag:$0x1], $0x80, $0x38;
	[tilespmem:$0x4100] =	vst v63  }
0x108: {  	s21 =	sadd.s32 $0xB50, s4;
	s22 =	simm.s32 $0x3B80  }
0x109: {  	[hbm4b:s21+s3] =	stream.linear.scatter [tilespmem:s22], [sflag:$0x1], $0x80, $0x38;
	[tilespmem:$0x4100] =	vst v63  }
0x10a: {  	s23 =	sadd.s32 $0xBD0, s4;
	s24 =	simm.s32 $0x3F80  }
0x10b: {  	[hbm4b:s23+s3] =	stream.linear.scatter [tilespmem:s24], [sflag:$0x1], $0x80, $0x38;
	[tilespmem:$0x4100] =	vst v63  }
0x10c: {  	s25 =	sadd.s32 $0x860, s4;
	s26 =	simm.s32 $0x2400  }
0x10d: {  	[hbm4b:s25+s3] =	stream.linear.scatter [tilespmem:s26], [sflag:$0x1], $0x80, $0x38;
	[tilespmem:$0x4100] =	vst v63  }
0x10e: {  	s28 =	sadd.s32 $0x8E0, s4;
	s29 =	simm.s32 $0x2800  }
0x10f: {  	[hbm4b:s28+s3] =	stream.linear.scatter [tilespmem:s29], [sflag:$0x1], $0x80, $0x38;
	[tilespmem:$0x4100] =	vst v63  }
0x110: {  	s30 =	sadd.s32 $0x960, s4;
	s31 =	simm.s32 $0x2C00  }
0x111: {  	[hbm4b:s30+s3] =	stream.linear.scatter [tilespmem:s31], [sflag:$0x1], $0x80, $0x38;
	[tilespmem:$0x4100] =	vst v63  }
0x112: {  	s6 =	sadd.s32 $0x9E0, s4;
	s7 =	simm.s32 $0x3000  }
0x113: {  	[hbm4b:s6+s3] =	stream.linear.scatter [tilespmem:s7], [sflag:$0x1], $0x80, $0x38;
	[tilespmem:$0x4100] =	vst v63  }
0x114: {  	s8 =	sadd.s32 $0xA60, s4;
	s9 =	simm.s32 $0x3400  }
0x115: {  	[hbm4b:s8+s3] =	stream.linear.scatter [tilespmem:s9], [sflag:$0x1], $0x80, $0x38;
	[tilespmem:$0x4100] =	vst v63  }
0x116: {  	s10 =	sadd.s32 $0xAE0, s4;
	s11 =	simm.s32 $0x3800  }
0x117: {  	[hbm4b:s10+s3] =	stream.linear.scatter [tilespmem:s11], [sflag:$0x1], $0x80, $0x38;
	[tilespmem:$0x4100] =	vst v63  }
0x118: {  	s12 =	sadd.s32 $0xB60, s4;
	s13 =	simm.s32 $0x3C00  }
0x119: {  	[hbm4b:s12+s3] =	stream.linear.scatter [tilespmem:s13], [sflag:$0x1], $0x80, $0x38;
	[tilespmem:$0x4100] =	vst v63  }
0x11a: {  	s14 =	sadd.s32 $0xBE0, s4;
	s15 =	simm.s32 $0x4000  }
0x11b: {  	[hbm4b:s14+s3] =	stream.linear.scatter [tilespmem:s15], [sflag:$0x1], $0x80, $0x38;
	[tilespmem:$0x4100] =	vst v63  }
0x11c: {  	s16 =	sadd.s32 $0x870, s4;
	s17 =	simm.s32 $0x2480  }
0x11d: {  	[hbm4b:s16+s3] =	stream.linear.scatter [tilespmem:s17], [sflag:$0x1], $0x80, $0x38;
	[tilespmem:$0x4100] =	vst v63  }
0x11e: {  	s18 =	sadd.s32 $0x8F0, s4;
	s19 =	simm.s32 $0x2880  }
0x11f: {  	[hbm4b:s18+s3] =	stream.linear.scatter [tilespmem:s19], [sflag:$0x1], $0x80, $0x38;
	[tilespmem:$0x4100] =	vst v63  }
0x120: {  	s20 =	sadd.s32 $0x970, s4;
	s21 =	simm.s32 $0x2C80  }
0x121: {  	[hbm4b:s20+s3] =	stream.linear.scatter [tilespmem:s21], [sflag:$0x1], $0x80, $0x38;
	[tilespmem:$0x4100] =	vst v63  }
0x122: {  	s22 =	sadd.s32 $0x9F0, s4;
	s23 =	simm.s32 $0x3080  }
0x123: {  	[hbm4b:s22+s3] =	stream.linear.scatter [tilespmem:s23], [sflag:$0x1], $0x80, $0x38;
	[tilespmem:$0x4100] =	vst v63  }
0x124: {  	s24 =	sadd.s32 $0xA70, s4;
	s25 =	simm.s32 $0x3480  }
0x125: {  	[hbm4b:s24+s3] =	stream.linear.scatter [tilespmem:s25], [sflag:$0x1], $0x80, $0x38;
	[tilespmem:$0x4100] =	vst v63  }
0x126: {  	s26 =	sadd.s32 $0xAF0, s4;
	s28 =	simm.s32 $0x3880  }
0x127: {  	[hbm4b:s26+s3] =	stream.linear.scatter [tilespmem:s28], [sflag:$0x1], $0x80, $0x38;
	[tilespmem:$0x4100] =	vst v63  }
0x128: {  	s29 =	sadd.s32 $0xB70, s4;
	s30 =	simm.s32 $0x3C80  }
0x129: {  	[hbm4b:s29+s3] =	stream.linear.scatter [tilespmem:s30], [sflag:$0x1], $0x80, $0x38;
	[tilespmem:$0x4100] =	vst v63  }
0x12a: {  	s4 =	sadd.s32 $0xBF0, s4;
	s31 =	simm.s32 $0x4080  }
0x12b: {  	[hbm4b:s4+s3] =	stream.linear.scatter [tilespmem:s31], [sflag:$0x1], $0x80, $0x38;
	[tilespmem:$0x4100] =	vst v63  }
0x12c: {  	_ =	swait.ge [sflag:s2], $0x400  }
0x12d: {  	[sflag:s2] =	ssyncset.done $0x0  }
0x12e: {  	[sflag:s2] =	ssyncadd.s32 $0xFFFFFC00  }
0x12f: {  	_ =	swait.ge [sflag:s2], $0x400  }
0x130: {  	[sflag:s2] =	ssyncset.done $0x0  }
0x131: {  	[sflag:s2] =	ssyncadd.s32 $0xFFFFFC00  }
0x132: {  	_ =	swait.ge [sflag:s2], $0x400  }
0x133: {  	[sflag:s2] =	ssyncset.done $0x0  }
0x134: {  	[sflag:s2] =	ssyncadd.s32 $0xFFFFFC00  }
0x135: {  	_ =	swait.ge [sflag:s2], $0x400  }
0x136: {  	[sflag:s2] =	ssyncset.done $0x0  }
0x137: {  	[sflag:s2] =	ssyncadd.s32 $0xFFFFFC00  }
0x138: {  	_ =	swait.ge [sflag:s2], $0x400  }
0x139: {  	[sflag:s2] =	ssyncset.done $0x0  }
0x13a: {  	[sflag:s2] =	ssyncadd.s32 $0xFFFFFC00  }
0x13b: {  	_ =	swait.ge [sflag:s2], $0x400  }
0x13c: {  	[sflag:s2] =	ssyncset.done $0x0  }
0x13d: {  	[sflag:s2] =	ssyncadd.s32 $0xFFFFFC00  }
0x13e: {  	_ =	swait.ge [sflag:s2], $0x400  }
0x13f: {  	[sflag:s2] =	ssyncset.done $0x0  }
0x140: {  	[sflag:s2] =	ssyncadd.s32 $0xFFFFFC00  }
0x141: {  	_ =	swait.ge [sflag:s2], $0x400  }
0x142: {  	[sflag:s2] =	ssyncset.done $0x0  }
0x143: {  	[sflag:s2] =	ssyncadd.s32 $0xFFFFFC00  }
0x144: {  	_ =	swait.ge [sflag:s2], $0x400  }
0x145: {  	[sflag:s2] =	ssyncset.done $0x0  }
0x146: {  	[sflag:s2] =	ssyncadd.s32 $0xFFFFFC00  }
0x147: {  	_ =	swait.ge [sflag:s2], $0x400  }
0x148: {  	[sflag:s2] =	ssyncset.done $0x0  }
0x149: {  	[sflag:s2] =	ssyncadd.s32 $0xFFFFFC00  }
0x14a: {  	_ =	swait.ge [sflag:s2], $0x400  }
0x14b: {  	[sflag:s2] =	ssyncset.done $0x0  }
0x14c: {  	[sflag:s2] =	ssyncadd.s32 $0xFFFFFC00  }
0x14d: {  	_ =	swait.ge [sflag:s2], $0x400  }
0x14e: {  	[sflag:s2] =	ssyncset.done $0x0  }
0x14f: {  	[sflag:s2] =	ssyncadd.s32 $0xFFFFFC00  }
0x150: {  	_ =	swait.ge [sflag:s2], $0x400  }
0x151: {  	[sflag:s2] =	ssyncset.done $0x0  }
0x152: {  	[sflag:s2] =	ssyncadd.s32 $0xFFFFFC00  }
0x153: {  	_ =	swait.ge [sflag:s2], $0x400  }
0x154: {  	[sflag:s2] =	ssyncset.done $0x0  }
0x155: {  	[sflag:s2] =	ssyncadd.s32 $0xFFFFFC00  }
0x156: {  	_ =	swait.ge [sflag:s2], $0x400  }
0x157: {  	[sflag:s2] =	ssyncset.done $0x0  }
0x158: {  	[sflag:s2] =	ssyncadd.s32 $0xFFFFFC00  }
0x159: {  	_ =	swait.ge [sflag:s2], $0x400  }
0x15a: {  	[sflag:s2] =	ssyncset.done $0x0  }
0x15b: {  	[sflag:s2] =	ssyncadd.s32 $0xFFFFFC00  }
0x15c: {  	_ =	sfence.sel $0x180000  }
0x15d: {  	[bflag:$0x0] =	sbarrier.arrive $0xFFFF  }
0x15e: {  	p0 =	sne.s32 s0, $0x0;
	_ =	strace $0x90000047  }
0x15f: {  	s0 =	sadd.s32 @!p0 $0x100000, s1;
	[bflag:$0x2] =	sbarrier.arrive $0xFFFF  }
0x160: {  	[sflag:s0] =	ssyncadd.tile.s32 @!p0 $0x1;
	_ =	shalt  }
.Lfunc_end2:
_tile_overlayer_lowered:
.L_overlay_start_2:
0x161: {  	(tag) =	ssettag $0x2  }
0x162: {  	s0 =	rddreg [dreg:$0x0];
	s2 =	stileid.u32  }
0x163: {  	s1 =	rddreg [dreg:$0x1];
	p0 =	sne.s32 s2, $0x0  }
0x164: {  	s3 =	rddreg [dreg:$0x2];
	[bflag:$0x3] =	sbarrier.arrive $0xFFFF;
	s2 =	simm.s32 @!p0 $0x1C02  }
0x165: {  	[timem:s3], [sflag:s2] =	dma.local @!p0 [hbm:s0], s1  }
0x166: {  	s0 =	simm.s32 @!p0 $0x2  }
0x167: {  	_ =	swait.ge @!p0 [sflag:s0], s1  }
0x168: {  	s1 =	ssub.s32 @!p0 $0x0, s1;
	[sflag:s0] =	ssyncset.done @!p0 $0x0  }
0x169: {  	[sflag:s0] =	ssyncadd.s32 @!p0 s1  }
0x16a: {  	[bflag:$0x3] =	sbarrier.arrive $0xFFFF  }
0x16b: {  	_ =	shalt  }

</sc_bundles>
